<compile_context>
chip_gen: v7x
topology: tpu7x:2x2x1
jax: 0.10.2.dev20260603
libtpu: 0.0.44.dev20260713+nightly
codegen_flags: <defaults>
</compile_context>

<pallas_src>
import functools

import jax
import jax.numpy as jnp
from jax import lax
from jax.experimental import pallas as pl
from jax.experimental.pallas import tpu as pltpu
from jax.experimental.pallas import tpu_sc as plsc

_THRESHOLD = 0.8
_S = 4096
_C = 2048
_L = 16
_NC = 2
_NS = 16
_NW = _NC * _NS

_R_SC = 1024
_SC_BASE = _S - _R_SC
_R_TC = _SC_BASE
_ROWS_PER_W = _R_SC // _NW
_CH = 16
_NCHUNK = _ROWS_PER_W // _CH
_NBUF = 2
_NPOLY = 12

_TC_BLOCK = 512


def _sc_body(x_hbm, out0_hbm, out1_hbm, buf, part, sem0, sem1):
    cid = lax.axis_index("c")
    sid = lax.axis_index("s")
    wid = sid * _NC + cid
    base = _SC_BASE + wid * _ROWS_PER_W

    sems = (sem0, sem1)

    def start(k):
        return pltpu.async_copy(
            x_hbm.at[0, pl.ds(base + k * _CH, _CH), :],
            buf.at[k % _NBUF],
            sems[k % _NBUF],
        )

    row_iota = lax.iota(jnp.int32, _L)
    loss_acc = jnp.zeros((_L,), jnp.float32)
    count_acc = jnp.zeros((_L,), jnp.float32)

    pending = [start(k) for k in range(min(_NBUF, _NCHUNK))]
    for k in range(_NCHUNK):
        b = k % _NBUF
        if k + _NBUF < _NCHUNK:
            pending.append(start(k + _NBUF))
        pending.pop(0).wait()

        accs = tuple(
            jnp.maximum(buf[b, r, pl.ds(0, _L)], buf[b, r, pl.ds(_L, _L)])
            for r in range(_CH)
        )

        def col_body(i, a):
            base_c = i * (2 * _L)
            a = tuple(
                jnp.maximum(a[r], buf[b, r, pl.ds(base_c, _L)])
                for r in range(_CH)
            )
            return tuple(
                jnp.maximum(a[r], buf[b, r, pl.ds(base_c + _L, _L)])
                for r in range(_CH)
            )

        accs = lax.fori_loop(1, _C // (2 * _L), col_body, accs)

        p_vec = jnp.zeros((_L,), jnp.float32)
        for r in range(_CH):
            m_r = jnp.max(accs[r])
            p_vec = jnp.where(row_iota == jnp.int32(r), m_r, p_vec)

        mask = p_vec > jnp.float32(_THRESHOLD)
        q = jnp.where(mask, jnp.float32(1.0) - p_vec, jnp.float32(0.0))
        poly = jnp.full((_L,), jnp.float32(1.0 / _NPOLY))
        for k_ in range(_NPOLY - 1, 0, -1):
            poly = poly * q + jnp.float32(1.0 / k_)
        neg_log_p = q * poly
        loss_acc = loss_acc + q * q * neg_log_p
        count_acc = count_acc + jnp.where(
            mask, jnp.float32(1.0), jnp.float32(0.0)
        )

    part[0, :] = loss_acc
    part[1, :] = count_acc

    @pl.when(cid == 0)
    def _():
        pltpu.sync_copy(part.at[0], out0_hbm.at[0, pl.ds(sid * _L, _L)])
        pltpu.sync_copy(part.at[1], out0_hbm.at[1, pl.ds(sid * _L, _L)])

    @pl.when(cid == 1)
    def _():
        pltpu.sync_copy(part.at[0], out1_hbm.at[0, pl.ds(sid * _L, _L)])
        pltpu.sync_copy(part.at[1], out1_hbm.at[1, pl.ds(sid * _L, _L)])


@functools.cache
def _make_sc_call():
    return pl.kernel(
        _sc_body,
        out_type=(
            jax.ShapeDtypeStruct((2, _NS * _L), jnp.float32),
            jax.ShapeDtypeStruct((2, _NS * _L), jnp.float32),
        ),
        mesh=plsc.VectorSubcoreMesh(
            core_axis_name="c", subcore_axis_name="s",
            num_cores=_NC, num_subcores=_NS,
        ),
        compiler_params=pltpu.CompilerParams(needs_layout_passes=False),
        scratch_types=[
            pltpu.VMEM((_NBUF, _CH, _C), jnp.float32),
            pltpu.VMEM((2, _L), jnp.float32),
            pltpu.SemaphoreType.DMA,
            pltpu.SemaphoreType.DMA,
        ],
    )


def _tc_part_body(x_ref, lo_ref, co_ref):
    x = x_ref[0].reshape(_TC_BLOCK // 128, 128, _C)
    p = jnp.max(x, axis=2)
    mask = p > jnp.float32(_THRESHOLD)
    safe_p = jnp.where(mask, p, jnp.float32(1.0))
    q = jnp.float32(1.0) - safe_p
    loss = q * q * (-jnp.log(safe_p))

    @pl.when(pl.program_id(0) == 0)
    def _():
        lo_ref[...] = jnp.zeros_like(lo_ref)
        co_ref[...] = jnp.zeros_like(co_ref)

    lo_ref[...] += loss
    co_ref[...] += mask.astype(jnp.float32)


def _tc_part(inputs, row_start, nrows):
    grid = nrows // _TC_BLOCK
    nsub = _TC_BLOCK // 128
    shape = jax.ShapeDtypeStruct((nsub, 128), jnp.float32)
    return pl.pallas_call(
        _tc_part_body,
        grid=(grid,),
        in_specs=[
            pl.BlockSpec(
                (1, _TC_BLOCK, _C),
                lambda i: (0, i + row_start // _TC_BLOCK, 0),
            )
        ],
        out_specs=(
            pl.BlockSpec((nsub, 128), lambda i: (0, 0)),
            pl.BlockSpec((nsub, 128), lambda i: (0, 0)),
        ),
        out_shape=(shape, shape),
        compiler_params=pltpu.CompilerParams(
            dimension_semantics=("arbitrary",)
        ),
    )(inputs)


def _finish_body(sc0_ref, sc1_ref, tl_ref, tc_ref, o_ref):
    loss_sum = (
        jnp.sum(sc0_ref[0, :])
        + jnp.sum(sc1_ref[0, :])
        + jnp.sum(tl_ref[...])
    )
    count = (
        jnp.sum(sc0_ref[1, :])
        + jnp.sum(sc1_ref[1, :])
        + jnp.sum(tc_ref[...])
    )
    val = loss_sum / jnp.maximum(count, jnp.float32(1.0))
    o_ref[...] = jnp.reshape(val, (1, 1))


def kernel(inputs):
    sc0, sc1 = _make_sc_call()(inputs)
    t_loss, t_cnt = _tc_part(inputs, 0, _R_TC)
    out = pl.pallas_call(
        _finish_body,
        out_shape=jax.ShapeDtypeStruct((1, 1), jnp.float32),
    )(sc0, sc1, t_loss, t_cnt)
    return out[0, 0]

# --- scband reference (transcript-rebuilt; emitter-appended) ---
"""Pipeline reference for scband-focal-pseudo-9036611190949 (READ-ONLY COPY).

The authoritative reference and input builder live on the scoring server;
editing this copy changes nothing except your own understanding.
"""

import jax, jax.numpy as jnp
import numpy as np

GAMMA = 2
THRESHOLD = 0.8


def setup_inputs(seed: int = 0) -> dict:
    key = jax.random.key(seed)
    inputs = jax.random.uniform(key, (4, 4096, 2048), dtype=jnp.float32)
    return {"inputs": inputs}


def reference(inputs):
    # Faithful translation of FocalPseudo.forward.
    # Torch: take first batch element, max over class dim, keep entries > threshold,
    # compute focal loss -(1-p)^gamma * log(p) on the kept entries, then mean.
    x = inputs[0, :, :]                      # [S, C]
    p = jnp.max(x, axis=1)                   # [S]
    mask = p > THRESHOLD                     # torch: value.ne(1) after where(p>thr, p, 1)
    # Emulate dynamic selection p[indexes] via masking (static shapes for jit).
    safe_p = jnp.where(mask, p, 1.0)         # log(1)=0 and (1-1)^gamma=0 for unselected
    log_p = jnp.log(safe_p)
    if GAMMA != 0:
        batch_loss = -jnp.power(1.0 - safe_p, GAMMA) * log_p
    else:
        batch_loss = -log_p
    count = jnp.sum(mask).astype(jnp.float32)
    # size_average=True -> mean over the selected entries only
    loss = jnp.sum(jnp.where(mask, batch_loss, 0.0)) / jnp.maximum(count, 1.0)
    return loss

if __name__ == "__main__":
    import jax
    _d = setup_inputs()
    print(jax.jit(kernel)(*tuple(_d.values())))

</pallas_src>

<mosaic_0001>
#map = affine_map<(d0, d1) -> (0, 0, 0)>
#map1 = affine_map<(d0, d1) -> (0, 0)>
module attributes {stable_mosaic.version = 14 : i64} {
  func.func @_sc_body(%arg0: i32, %arg1: i32, %arg2: memref<4x4096x2048xf32, #tpu.memory_space<hbm>>, %arg3: memref<2x256xf32, #tpu.memory_space<hbm>>, %arg4: memref<2x256xf32, #tpu.memory_space<hbm>>, %arg5: memref<2x16x2048xf32, #tpu.memory_space<vmem>>, %arg6: memref<2x16xf32, #tpu.memory_space<vmem>>, %arg7: memref<!tpu.dma_semaphore, #tpu.memory_space<semaphore_mem>>, %arg8: memref<!tpu.dma_semaphore, #tpu.memory_space<semaphore_mem>>) attributes {dimension_semantics = [#tpu.dimension_semantics<core_parallel>, #tpu.dimension_semantics<subcore_parallel>], iteration_bounds = array<i64: 2, 16>, scalar_prefetch = 0 : i64, scratch_operands = 4 : i64, tpu.core_type = #tpu.core_type<sc_vector_subcore>, window_params = [{transform_indices = #map}, {transform_indices = #map1}, {transform_indices = #map1}]} {
    %mul3A = arith.constant 2 : i32
    %mul3A_0 = arith.muli %arg1, %mul3A : i32
    %add3A = arith.addi %mul3A_0, %arg0 : i32
    %mul3A_1 = arith.constant 32 : i32
    %mul3A_2 = arith.muli %add3A, %mul3A_1 : i32
    %add3A_3 = arith.constant 3072 : i32
    %add3A_4 = arith.addi %add3A_3, %mul3A_2 : i32
    %iota3A = tpu.iota {dimensions = array<i32: 0>} : vector<16xi32>
    %broadcast_in_dim3A = arith.constant 0.000000e+00 : f32
    %broadcast_in_dim3A_5 = vector.broadcast %broadcast_in_dim3A : f32 to vector<16xf32>
    %broadcast_in_dim3A_6 = arith.constant 0.000000e+00 : f32
    %broadcast_in_dim3A_7 = vector.broadcast %broadcast_in_dim3A_6 : f32 to vector<16xf32>
    %add3A_8 = arith.constant 0 : i32
    %add3A_9 = arith.addi %add3A_4, %add3A_8 : i32
    %dma_start3A = arith.constant 0 : i32
    %dma_start3A_10 = arith.constant 0 : i32
    %dma_start3A_11 = arith.constant 0 : i32
    %dma_start3A_12 = arith.constant 0 : i32
    %dma_start3A_13 = tpu.memref_slice %arg5[%dma_start3A_10, %dma_start3A_11, %dma_start3A_12] : memref<2x16x2048xf32, #tpu.memory_space<vmem>> -> memref<1x16x2048xf32, #tpu.memory_space<vmem>>
    %dma_start3A_14 = tpu.memref_squeeze %dma_start3A_13 : memref<1x16x2048xf32, #tpu.memory_space<vmem>> -> memref<16x2048xf32, #tpu.memory_space<vmem>>
    %dma_start3A_15 = arith.constant 0 : i32
    %dma_start3A_16 = tpu.memref_slice %arg2[%dma_start3A, %add3A_9, %dma_start3A_15] : memref<4x4096x2048xf32, #tpu.memory_space<hbm>> -> memref<1x16x2048xf32, #tpu.memory_space<hbm>>
    %dma_start3A_17 = tpu.memref_squeeze %dma_start3A_16 : memref<1x16x2048xf32, #tpu.memory_space<hbm>> -> memref<16x2048xf32, #tpu.memory_space<hbm>>
    %dma_start3A_18 = arith.constant 0 : i32
    %dma_start3A_19 = arith.constant 0 : i32
    %dma_start3A_20 = tpu.memref_slice %arg5[%dma_start3A_10, %dma_start3A_18, %dma_start3A_19] : memref<2x16x2048xf32, #tpu.memory_space<vmem>> -> memref<1x16x2048xf32, #tpu.memory_space<vmem>>
    %dma_start3A_21 = tpu.memref_squeeze %dma_start3A_20 : memref<1x16x2048xf32, #tpu.memory_space<vmem>> -> memref<16x2048xf32, #tpu.memory_space<vmem>>
    %dma_start3A_22 = arith.constant 0 : i32
    %dma_start3A_23 = tpu.memref_slice %arg2[%dma_start3A, %add3A_9, %dma_start3A_22] : memref<4x4096x2048xf32, #tpu.memory_space<hbm>> -> memref<1x16x2048xf32, #tpu.memory_space<hbm>>
    %dma_start3A_24 = tpu.memref_squeeze %dma_start3A_23 : memref<1x16x2048xf32, #tpu.memory_space<hbm>> -> memref<16x2048xf32, #tpu.memory_space<hbm>>
    tpu.enqueue_dma source(%dma_start3A_24 : memref<16x2048xf32, #tpu.memory_space<hbm>>) target(%dma_start3A_21 : memref<16x2048xf32, #tpu.memory_space<vmem>>) target_semaphore(%arg7 : memref<!tpu.dma_semaphore, #tpu.memory_space<semaphore_mem>>)
    %add3A_25 = arith.constant 16 : i32
    %add3A_26 = arith.addi %add3A_4, %add3A_25 : i32
    %dma_start3A_27 = arith.constant 0 : i32
    %dma_start3A_28 = arith.constant 1 : i32
    %dma_start3A_29 = arith.constant 0 : i32
    %dma_start3A_30 = arith.constant 0 : i32
    %dma_start3A_31 = tpu.memref_slice %arg5[%dma_start3A_28, %dma_start3A_29, %dma_start3A_30] : memref<2x16x2048xf32, #tpu.memory_space<vmem>> -> memref<1x16x2048xf32, #tpu.memory_space<vmem>>
    %dma_start3A_32 = tpu.memref_squeeze %dma_start3A_31 : memref<1x16x2048xf32, #tpu.memory_space<vmem>> -> memref<16x2048xf32, #tpu.memory_space<vmem>>
    %dma_start3A_33 = arith.constant 0 : i32
    %dma_start3A_34 = tpu.memref_slice %arg2[%dma_start3A_27, %add3A_26, %dma_start3A_33] : memref<4x4096x2048xf32, #tpu.memory_space<hbm>> -> memref<1x16x2048xf32, #tpu.memory_space<hbm>>
    %dma_start3A_35 = tpu.memref_squeeze %dma_start3A_34 : memref<1x16x2048xf32, #tpu.memory_space<hbm>> -> memref<16x2048xf32, #tpu.memory_space<hbm>>
    %dma_start3A_36 = arith.constant 0 : i32
    %dma_start3A_37 = arith.constant 0 : i32
    %dma_start3A_38 = tpu.memref_slice %arg5[%dma_start3A_28, %dma_start3A_36, %dma_start3A_37] : memref<2x16x2048xf32, #tpu.memory_space<vmem>> -> memref<1x16x2048xf32, #tpu.memory_space<vmem>>
    %dma_start3A_39 = tpu.memref_squeeze %dma_start3A_38 : memref<1x16x2048xf32, #tpu.memory_space<vmem>> -> memref<16x2048xf32, #tpu.memory_space<vmem>>
    %dma_start3A_40 = arith.constant 0 : i32
    %dma_start3A_41 = tpu.memref_slice %arg2[%dma_start3A_27, %add3A_26, %dma_start3A_40] : memref<4x4096x2048xf32, #tpu.memory_space<hbm>> -> memref<1x16x2048xf32, #tpu.memory_space<hbm>>
    %dma_start3A_42 = tpu.memref_squeeze %dma_start3A_41 : memref<1x16x2048xf32, #tpu.memory_space<hbm>> -> memref<16x2048xf32, #tpu.memory_space<hbm>>
    tpu.enqueue_dma source(%dma_start3A_42 : memref<16x2048xf32, #tpu.memory_space<hbm>>) target(%dma_start3A_39 : memref<16x2048xf32, #tpu.memory_space<vmem>>) target_semaphore(%arg8 : memref<!tpu.dma_semaphore, #tpu.memory_space<semaphore_mem>>)
    %dma_wait3A = arith.constant 0 : i32
    %dma_wait3A_43 = arith.constant 0 : i32
    %dma_wait3A_44 = arith.constant 0 : i32
    %dma_wait3A_45 = arith.constant 0 : i32
    %dma_wait3A_46 = tpu.memref_slice %arg5[%dma_wait3A_43, %dma_wait3A_44, %dma_wait3A_45] : memref<2x16x2048xf32, #tpu.memory_space<vmem>> -> memref<1x16x2048xf32, #tpu.memory_space<vmem>>
    %dma_wait3A_47 = tpu.memref_squeeze %dma_wait3A_46 : memref<1x16x2048xf32, #tpu.memory_space<vmem>> -> memref<16x2048xf32, #tpu.memory_space<vmem>>
    %dma_wait3A_48 = arith.constant 0 : i32
    %dma_wait3A_49 = tpu.memref_slice %arg2[%dma_wait3A, %add3A_9, %dma_wait3A_48] : memref<4x4096x2048xf32, #tpu.memory_space<hbm>> -> memref<1x16x2048xf32, #tpu.memory_space<hbm>>
    %dma_wait3A_50 = tpu.memref_squeeze %dma_wait3A_49 : memref<1x16x2048xf32, #tpu.memory_space<hbm>> -> memref<16x2048xf32, #tpu.memory_space<hbm>>
    %dma_wait3A_51 = arith.constant 0 : i32
    %dma_wait3A_52 = arith.constant 0 : i32
    %dma_wait3A_53 = tpu.memref_slice %arg5[%dma_wait3A_43, %dma_wait3A_51, %dma_wait3A_52] : memref<2x16x2048xf32, #tpu.memory_space<vmem>> -> memref<1x16x2048xf32, #tpu.memory_space<vmem>>
    %dma_wait3A_54 = tpu.memref_squeeze %dma_wait3A_53 : memref<1x16x2048xf32, #tpu.memory_space<vmem>> -> memref<16x2048xf32, #tpu.memory_space<vmem>>
    %dma_wait3A_55 = arith.constant 0 : i32
    %dma_wait3A_56 = tpu.memref_slice %arg2[%dma_wait3A, %add3A_9, %dma_wait3A_55] : memref<4x4096x2048xf32, #tpu.memory_space<hbm>> -> memref<1x16x2048xf32, #tpu.memory_space<hbm>>
    %dma_wait3A_57 = tpu.memref_squeeze %dma_wait3A_56 : memref<1x16x2048xf32, #tpu.memory_space<hbm>> -> memref<16x2048xf32, #tpu.memory_space<hbm>>
    tpu.wait_dma2 semaphore(%arg7 : memref<!tpu.dma_semaphore, #tpu.memory_space<semaphore_mem>>) src(%dma_wait3A_57 : memref<16x2048xf32, #tpu.memory_space<hbm>>) dst(%dma_wait3A_54 : memref<16x2048xf32, #tpu.memory_space<vmem>>)
    %get3A = arith.constant 0 : i32
    %get3A_58 = arith.constant 0 : i32
    %get3A_59 = arith.index_cast %get3A : i32 to index
    %get3A_60 = arith.index_cast %get3A_58 : i32 to index
    %get3A_61 = arith.constant 0 : index
    %get3A_62 = tpu.vector_load %arg5[%get3A_59, %get3A_60, %get3A_61] {strides = array<i32>} : memref<2x16x2048xf32, #tpu.memory_space<vmem>>, vector<16xf32>,
    %get3A_63 = arith.constant 0 : i32
    %get3A_64 = arith.constant 0 : i32
    %get3A_65 = arith.index_cast %get3A_63 : i32 to index
    %get3A_66 = arith.index_cast %get3A_64 : i32 to index
    %get3A_67 = arith.constant 16 : index
    %get3A_68 = tpu.vector_load %arg5[%get3A_65, %get3A_66, %get3A_67] {strides = array<i32>} : memref<2x16x2048xf32, #tpu.memory_space<vmem>>, vector<16xf32>,
    %max3A = arith.maximumf %get3A_62, %get3A_68 : vector<16xf32>
    %get3A_69 = arith.constant 0 : i32
    %get3A_70 = arith.constant 1 : i32
    %get3A_71 = arith.index_cast %get3A_69 : i32 to index
    %get3A_72 = arith.index_cast %get3A_70 : i32 to index
    %get3A_73 = arith.constant 0 : index
    %get3A_74 = tpu.vector_load %arg5[%get3A_71, %get3A_72, %get3A_73] {strides = array<i32>} : memref<2x16x2048xf32, #tpu.memory_space<vmem>>, vector<16xf32>,
    %get3A_75 = arith.constant 0 : i32
    %get3A_76 = arith.constant 1 : i32
    %get3A_77 = arith.index_cast %get3A_75 : i32 to index
    %get3A_78 = arith.index_cast %get3A_76 : i32 to index
    %get3A_79 = arith.constant 16 : index
    %get3A_80 = tpu.vector_load %arg5[%get3A_77, %get3A_78, %get3A_79] {strides = array<i32>} : memref<2x16x2048xf32, #tpu.memory_space<vmem>>, vector<16xf32>,
    %max3A_81 = arith.maximumf %get3A_74, %get3A_80 : vector<16xf32>
    %get3A_82 = arith.constant 0 : i32
    %get3A_83 = arith.constant 2 : i32
    %get3A_84 = arith.index_cast %get3A_82 : i32 to index
    %get3A_85 = arith.index_cast %get3A_83 : i32 to index
    %get3A_86 = arith.constant 0 : index
    %get3A_87 = tpu.vector_load %arg5[%get3A_84, %get3A_85, %get3A_86] {strides = array<i32>} : memref<2x16x2048xf32, #tpu.memory_space<vmem>>, vector<16xf32>,
    %get3A_88 = arith.constant 0 : i32
    %get3A_89 = arith.constant 2 : i32
    %get3A_90 = arith.index_cast %get3A_88 : i32 to index
    %get3A_91 = arith.index_cast %get3A_89 : i32 to index
    %get3A_92 = arith.constant 16 : index
    %get3A_93 = tpu.vector_load %arg5[%get3A_90, %get3A_91, %get3A_92] {strides = array<i32>} : memref<2x16x2048xf32, #tpu.memory_space<vmem>>, vector<16xf32>,
    %max3A_94 = arith.maximumf %get3A_87, %get3A_93 : vector<16xf32>
    %get3A_95 = arith.constant 0 : i32
    %get3A_96 = arith.constant 3 : i32
    %get3A_97 = arith.index_cast %get3A_95 : i32 to index
    %get3A_98 = arith.index_cast %get3A_96 : i32 to index
    %get3A_99 = arith.constant 0 : index
    %get3A_100 = tpu.vector_load %arg5[%get3A_97, %get3A_98, %get3A_99] {strides = array<i32>} : memref<2x16x2048xf32, #tpu.memory_space<vmem>>, vector<16xf32>,
    %get3A_101 = arith.constant 0 : i32
    %get3A_102 = arith.constant 3 : i32
    %get3A_103 = arith.index_cast %get3A_101 : i32 to index
    %get3A_104 = arith.index_cast %get3A_102 : i32 to index
    %get3A_105 = arith.constant 16 : index
    %get3A_106 = tpu.vector_load %arg5[%get3A_103, %get3A_104, %get3A_105] {strides = array<i32>} : memref<2x16x2048xf32, #tpu.memory_space<vmem>>, vector<16xf32>,
    %max3A_107 = arith.maximumf %get3A_100, %get3A_106 : vector<16xf32>
    %get3A_108 = arith.constant 0 : i32
    %get3A_109 = arith.constant 4 : i32
    %get3A_110 = arith.index_cast %get3A_108 : i32 to index
    %get3A_111 = arith.index_cast %get3A_109 : i32 to index
    %get3A_112 = arith.constant 0 : index
    %get3A_113 = tpu.vector_load %arg5[%get3A_110, %get3A_111, %get3A_112] {strides = array<i32>} : memref<2x16x2048xf32, #tpu.memory_space<vmem>>, vector<16xf32>,
    %get3A_114 = arith.constant 0 : i32
    %get3A_115 = arith.constant 4 : i32
    %get3A_116 = arith.index_cast %get3A_114 : i32 to index
    %get3A_117 = arith.index_cast %get3A_115 : i32 to index
    %get3A_118 = arith.constant 16 : index
    %get3A_119 = tpu.vector_load %arg5[%get3A_116, %get3A_117, %get3A_118] {strides = array<i32>} : memref<2x16x2048xf32, #tpu.memory_space<vmem>>, vector<16xf32>,
    %max3A_120 = arith.maximumf %get3A_113, %get3A_119 : vector<16xf32>
    %get3A_121 = arith.constant 0 : i32
    %get3A_122 = arith.constant 5 : i32
    %get3A_123 = arith.index_cast %get3A_121 : i32 to index
    %get3A_124 = arith.index_cast %get3A_122 : i32 to index
    %get3A_125 = arith.constant 0 : index
    %get3A_126 = tpu.vector_load %arg5[%get3A_123, %get3A_124, %get3A_125] {strides = array<i32>} : memref<2x16x2048xf32, #tpu.memory_space<vmem>>, vector<16xf32>,
    %get3A_127 = arith.constant 0 : i32
    %get3A_128 = arith.constant 5 : i32
    %get3A_129 = arith.index_cast %get3A_127 : i32 to index
    %get3A_130 = arith.index_cast %get3A_128 : i32 to index
    %get3A_131 = arith.constant 16 : index
    %get3A_132 = tpu.vector_load %arg5[%get3A_129, %get3A_130, %get3A_131] {strides = array<i32>} : memref<2x16x2048xf32, #tpu.memory_space<vmem>>, vector<16xf32>,
    %max3A_133 = arith.maximumf %get3A_126, %get3A_132 : vector<16xf32>
    %get3A_134 = arith.constant 0 : i32
    %get3A_135 = arith.constant 6 : i32
    %get3A_136 = arith.index_cast %get3A_134 : i32 to index
    %get3A_137 = arith.index_cast %get3A_135 : i32 to index
    %get3A_138 = arith.constant 0 : index
    %get3A_139 = tpu.vector_load %arg5[%get3A_136, %get3A_137, %get3A_138] {strides = array<i32>} : memref<2x16x2048xf32, #tpu.memory_space<vmem>>, vector<16xf32>,
    %get3A_140 = arith.constant 0 : i32
    %get3A_141 = arith.constant 6 : i32
    %get3A_142 = arith.index_cast %get3A_140 : i32 to index
    %get3A_143 = arith.index_cast %get3A_141 : i32 to index
    %get3A_144 = arith.constant 16 : index
    %get3A_145 = tpu.vector_load %arg5[%get3A_142, %get3A_143, %get3A_144] {strides = array<i32>} : memref<2x16x2048xf32, #tpu.memory_space<vmem>>, vector<16xf32>,
    %max3A_146 = arith.maximumf %get3A_139, %get3A_145 : vector<16xf32>
    %get3A_147 = arith.constant 0 : i32
    %get3A_148 = arith.constant 7 : i32
    %get3A_149 = arith.index_cast %get3A_147 : i32 to index
    %get3A_150 = arith.index_cast %get3A_148 : i32 to index
    %get3A_151 = arith.constant 0 : index
    %get3A_152 = tpu.vector_load %arg5[%get3A_149, %get3A_150, %get3A_151] {strides = array<i32>} : memref<2x16x2048xf32, #tpu.memory_space<vmem>>, vector<16xf32>,
    %get3A_153 = arith.constant 0 : i32
    %get3A_154 = arith.constant 7 : i32
    %get3A_155 = arith.index_cast %get3A_153 : i32 to index
    %get3A_156 = arith.index_cast %get3A_154 : i32 to index
    %get3A_157 = arith.constant 16 : index
    %get3A_158 = tpu.vector_load %arg5[%get3A_155, %get3A_156, %get3A_157] {strides = array<i32>} : memref<2x16x2048xf32, #tpu.memory_space<vmem>>, vector<16xf32>,
    %max3A_159 = arith.maximumf %get3A_152, %get3A_158 : vector<16xf32>
    %get3A_160 = arith.constant 0 : i32
    %get3A_161 = arith.constant 8 : i32
    %get3A_162 = arith.index_cast %get3A_160 : i32 to index
    %get3A_163 = arith.index_cast %get3A_161 : i32 to index
    %get3A_164 = arith.constant 0 : index
    %get3A_165 = tpu.vector_load %arg5[%get3A_162, %get3A_163, %get3A_164] {strides = array<i32>} : memref<2x16x2048xf32, #tpu.memory_space<vmem>>, vector<16xf32>,
    %get3A_166 = arith.constant 0 : i32
    %get3A_167 = arith.constant 8 : i32
    %get3A_168 = arith.index_cast %get3A_166 : i32 to index
    %get3A_169 = arith.index_cast %get3A_167 : i32 to index
    %get3A_170 = arith.constant 16 : index
    %get3A_171 = tpu.vector_load %arg5[%get3A_168, %get3A_169, %get3A_170] {strides = array<i32>} : memref<2x16x2048xf32, #tpu.memory_space<vmem>>, vector<16xf32>,
    %max3A_172 = arith.maximumf %get3A_165, %get3A_171 : vector<16xf32>
    %get3A_173 = arith.constant 0 : i32
    %get3A_174 = arith.constant 9 : i32
    %get3A_175 = arith.index_cast %get3A_173 : i32 to index
    %get3A_176 = arith.index_cast %get3A_174 : i32 to index
    %get3A_177 = arith.constant 0 : index
    %get3A_178 = tpu.vector_load %arg5[%get3A_175, %get3A_176, %get3A_177] {strides = array<i32>} : memref<2x16x2048xf32, #tpu.memory_space<vmem>>, vector<16xf32>,
    %get3A_179 = arith.constant 0 : i32
    %get3A_180 = arith.constant 9 : i32
    %get3A_181 = arith.index_cast %get3A_179 : i32 to index
    %get3A_182 = arith.index_cast %get3A_180 : i32 to index
    %get3A_183 = arith.constant 16 : index
    %get3A_184 = tpu.vector_load %arg5[%get3A_181, %get3A_182, %get3A_183] {strides = array<i32>} : memref<2x16x2048xf32, #tpu.memory_space<vmem>>, vector<16xf32>,
    %max3A_185 = arith.maximumf %get3A_178, %get3A_184 : vector<16xf32>
    %get3A_186 = arith.constant 0 : i32
    %get3A_187 = arith.constant 10 : i32
    %get3A_188 = arith.index_cast %get3A_186 : i32 to index
    %get3A_189 = arith.index_cast %get3A_187 : i32 to index
    %get3A_190 = arith.constant 0 : index
    %get3A_191 = tpu.vector_load %arg5[%get3A_188, %get3A_189, %get3A_190] {strides = array<i32>} : memref<2x16x2048xf32, #tpu.memory_space<vmem>>, vector<16xf32>,
    %get3A_192 = arith.constant 0 : i32
    %get3A_193 = arith.constant 10 : i32
    %get3A_194 = arith.index_cast %get3A_192 : i32 to index
    %get3A_195 = arith.index_cast %get3A_193 : i32 to index
    %get3A_196 = arith.constant 16 : index
    %get3A_197 = tpu.vector_load %arg5[%get3A_194, %get3A_195, %get3A_196] {strides = array<i32>} : memref<2x16x2048xf32, #tpu.memory_space<vmem>>, vector<16xf32>,
    %max3A_198 = arith.maximumf %get3A_191, %get3A_197 : vector<16xf32>
    %get3A_199 = arith.constant 0 : i32
    %get3A_200 = arith.constant 11 : i32
    %get3A_201 = arith.index_cast %get3A_199 : i32 to index
    %get3A_202 = arith.index_cast %get3A_200 : i32 to index
    %get3A_203 = arith.constant 0 : index
    %get3A_204 = tpu.vector_load %arg5[%get3A_201, %get3A_202, %get3A_203] {strides = array<i32>} : memref<2x16x2048xf32, #tpu.memory_space<vmem>>, vector<16xf32>,
    %get3A_205 = arith.constant 0 : i32
    %get3A_206 = arith.constant 11 : i32
    %get3A_207 = arith.index_cast %get3A_205 : i32 to index
    %get3A_208 = arith.index_cast %get3A_206 : i32 to index
    %get3A_209 = arith.constant 16 : index
    %get3A_210 = tpu.vector_load %arg5[%get3A_207, %get3A_208, %get3A_209] {strides = array<i32>} : memref<2x16x2048xf32, #tpu.memory_space<vmem>>, vector<16xf32>,
    %max3A_211 = arith.maximumf %get3A_204, %get3A_210 : vector<16xf32>
    %get3A_212 = arith.constant 0 : i32
    %get3A_213 = arith.constant 12 : i32
    %get3A_214 = arith.index_cast %get3A_212 : i32 to index
    %get3A_215 = arith.index_cast %get3A_213 : i32 to index
    %get3A_216 = arith.constant 0 : index
    %get3A_217 = tpu.vector_load %arg5[%get3A_214, %get3A_215, %get3A_216] {strides = array<i32>} : memref<2x16x2048xf32, #tpu.memory_space<vmem>>, vector<16xf32>,
    %get3A_218 = arith.constant 0 : i32
    %get3A_219 = arith.constant 12 : i32
    %get3A_220 = arith.index_cast %get3A_218 : i32 to index
    %get3A_221 = arith.index_cast %get3A_219 : i32 to index
    %get3A_222 = arith.constant 16 : index
    %get3A_223 = tpu.vector_load %arg5[%get3A_220, %get3A_221, %get3A_222] {strides = array<i32>} : memref<2x16x2048xf32, #tpu.memory_space<vmem>>, vector<16xf32>,
    %max3A_224 = arith.maximumf %get3A_217, %get3A_223 : vector<16xf32>
    %get3A_225 = arith.constant 0 : i32
    %get3A_226 = arith.constant 13 : i32
    %get3A_227 = arith.index_cast %get3A_225 : i32 to index
    %get3A_228 = arith.index_cast %get3A_226 : i32 to index
    %get3A_229 = arith.constant 0 : index
    %get3A_230 = tpu.vector_load %arg5[%get3A_227, %get3A_228, %get3A_229] {strides = array<i32>} : memref<2x16x2048xf32, #tpu.memory_space<vmem>>, vector<16xf32>,
    %get3A_231 = arith.constant 0 : i32
    %get3A_232 = arith.constant 13 : i32
    %get3A_233 = arith.index_cast %get3A_231 : i32 to index
    %get3A_234 = arith.index_cast %get3A_232 : i32 to index
    %get3A_235 = arith.constant 16 : index
    %get3A_236 = tpu.vector_load %arg5[%get3A_233, %get3A_234, %get3A_235] {strides = array<i32>} : memref<2x16x2048xf32, #tpu.memory_space<vmem>>, vector<16xf32>,
    %max3A_237 = arith.maximumf %get3A_230, %get3A_236 : vector<16xf32>
    %get3A_238 = arith.constant 0 : i32
    %get3A_239 = arith.constant 14 : i32
    %get3A_240 = arith.index_cast %get3A_238 : i32 to index
    %get3A_241 = arith.index_cast %get3A_239 : i32 to index
    %get3A_242 = arith.constant 0 : index
    %get3A_243 = tpu.vector_load %arg5[%get3A_240, %get3A_241, %get3A_242] {strides = array<i32>} : memref<2x16x2048xf32, #tpu.memory_space<vmem>>, vector<16xf32>,
    %get3A_244 = arith.constant 0 : i32
    %get3A_245 = arith.constant 14 : i32
    %get3A_246 = arith.index_cast %get3A_244 : i32 to index
    %get3A_247 = arith.index_cast %get3A_245 : i32 to index
    %get3A_248 = arith.constant 16 : index
    %get3A_249 = tpu.vector_load %arg5[%get3A_246, %get3A_247, %get3A_248] {strides = array<i32>} : memref<2x16x2048xf32, #tpu.memory_space<vmem>>, vector<16xf32>,
    %max3A_250 = arith.maximumf %get3A_243, %get3A_249 : vector<16xf32>
    %get3A_251 = arith.constant 0 : i32
    %get3A_252 = arith.constant 15 : i32
    %get3A_253 = arith.index_cast %get3A_251 : i32 to index
    %get3A_254 = arith.index_cast %get3A_252 : i32 to index
    %get3A_255 = arith.constant 0 : index
    %get3A_256 = tpu.vector_load %arg5[%get3A_253, %get3A_254, %get3A_255] {strides = array<i32>} : memref<2x16x2048xf32, #tpu.memory_space<vmem>>, vector<16xf32>,
    %get3A_257 = arith.constant 0 : i32
    %get3A_258 = arith.constant 15 : i32
    %get3A_259 = arith.index_cast %get3A_257 : i32 to index
    %get3A_260 = arith.index_cast %get3A_258 : i32 to index
    %get3A_261 = arith.constant 16 : index
    %get3A_262 = tpu.vector_load %arg5[%get3A_259, %get3A_260, %get3A_261] {strides = array<i32>} : memref<2x16x2048xf32, #tpu.memory_space<vmem>>, vector<16xf32>,
    %max3A_263 = arith.maximumf %get3A_256, %get3A_262 : vector<16xf32>
    %scan3A = arith.constant 1 : i32
    %scan3A_264 = arith.constant 63 : i32
    %scan3A_265 = arith.addi %scan3A, %scan3A_264 : i32
    %scan3A_266 = arith.constant 1 : i32
    %scan3A_267:16 = scf.for %scan3A_930 = %scan3A to %scan3A_265 step %scan3A_266 iter_args(%scan3A_931 = %max3A, %scan3A_932 = %max3A_81, %scan3A_933 = %max3A_94, %scan3A_934 = %max3A_107, %scan3A_935 = %max3A_120, %scan3A_936 = %max3A_133, %scan3A_937 = %max3A_146, %scan3A_938 = %max3A_159, %scan3A_939 = %max3A_172, %scan3A_940 = %max3A_185, %scan3A_941 = %max3A_198, %scan3A_942 = %max3A_211, %scan3A_943 = %max3A_224, %scan3A_944 = %max3A_237, %scan3A_945 = %max3A_250, %scan3A_946 = %max3A_263) -> (vector<16xf32>, vector<16xf32>, vector<16xf32>, vector<16xf32>, vector<16xf32>, vector<16xf32>, vector<16xf32>, vector<16xf32>, vector<16xf32>, vector<16xf32>, vector<16xf32>, vector<16xf32>, vector<16xf32>, vector<16xf32>, vector<16xf32>, vector<16xf32>)  : i32 {
      %mul3A_947 = arith.constant 32 : i32
      %mul3A_948 = arith.muli %scan3A_930, %mul3A_947 : i32
      %get3A_949 = arith.constant 0 : i32
      %get3A_950 = arith.constant 0 : i32
      %get3A_951 = arith.index_cast %get3A_949 : i32 to index
      %get3A_952 = arith.index_cast %get3A_950 : i32 to index
      %get3A_953 = arith.index_cast %mul3A_948 : i32 to index
      %get3A_954 = tpu.vector_load %arg5[%get3A_951, %get3A_952, %get3A_953] {strides = array<i32>} : memref<2x16x2048xf32, #tpu.memory_space<vmem>>, vector<16xf32>,
      %max3A_955 = arith.maximumf %scan3A_931, %get3A_954 : vector<16xf32>
      %get3A_956 = arith.constant 0 : i32
      %get3A_957 = arith.constant 1 : i32
      %get3A_958 = arith.index_cast %get3A_956 : i32 to index
      %get3A_959 = arith.index_cast %get3A_957 : i32 to index
      %get3A_960 = arith.index_cast %mul3A_948 : i32 to index
      %get3A_961 = tpu.vector_load %arg5[%get3A_958, %get3A_959, %get3A_960] {strides = array<i32>} : memref<2x16x2048xf32, #tpu.memory_space<vmem>>, vector<16xf32>,
      %max3A_962 = arith.maximumf %scan3A_932, %get3A_961 : vector<16xf32>
      %get3A_963 = arith.constant 0 : i32
      %get3A_964 = arith.constant 2 : i32
      %get3A_965 = arith.index_cast %get3A_963 : i32 to index
      %get3A_966 = arith.index_cast %get3A_964 : i32 to index
      %get3A_967 = arith.index_cast %mul3A_948 : i32 to index
      %get3A_968 = tpu.vector_load %arg5[%get3A_965, %get3A_966, %get3A_967] {strides = array<i32>} : memref<2x16x2048xf32, #tpu.memory_space<vmem>>, vector<16xf32>,
      %max3A_969 = arith.maximumf %scan3A_933, %get3A_968 : vector<16xf32>
      %get3A_970 = arith.constant 0 : i32
      %get3A_971 = arith.constant 3 : i32
      %get3A_972 = arith.index_cast %get3A_970 : i32 to index
      %get3A_973 = arith.index_cast %get3A_971 : i32 to index
      %get3A_974 = arith.index_cast %mul3A_948 : i32 to index
      %get3A_975 = tpu.vector_load %arg5[%get3A_972, %get3A_973, %get3A_974] {strides = array<i32>} : memref<2x16x2048xf32, #tpu.memory_space<vmem>>, vector<16xf32>,
      %max3A_976 = arith.maximumf %scan3A_934, %get3A_975 : vector<16xf32>
      %get3A_977 = arith.constant 0 : i32
      %get3A_978 = arith.constant 4 : i32
      %get3A_979 = arith.index_cast %get3A_977 : i32 to index
      %get3A_980 = arith.index_cast %get3A_978 : i32 to index
      %get3A_981 = arith.index_cast %mul3A_948 : i32 to index
      %get3A_982 = tpu.vector_load %arg5[%get3A_979, %get3A_980, %get3A_981] {strides = array<i32>} : memref<2x16x2048xf32, #tpu.memory_space<vmem>>, vector<16xf32>,
      %max3A_983 = arith.maximumf %scan3A_935, %get3A_982 : vector<16xf32>
      %get3A_984 = arith.constant 0 : i32
      %get3A_985 = arith.constant 5 : i32
      %get3A_986 = arith.index_cast %get3A_984 : i32 to index
      %get3A_987 = arith.index_cast %get3A_985 : i32 to index
      %get3A_988 = arith.index_cast %mul3A_948 : i32 to index
      %get3A_989 = tpu.vector_load %arg5[%get3A_986, %get3A_987, %get3A_988] {strides = array<i32>} : memref<2x16x2048xf32, #tpu.memory_space<vmem>>, vector<16xf32>,
      %max3A_990 = arith.maximumf %scan3A_936, %get3A_989 : vector<16xf32>
      %get3A_991 = arith.constant 0 : i32
      %get3A_992 = arith.constant 6 : i32
      %get3A_993 = arith.index_cast %get3A_991 : i32 to index
      %get3A_994 = arith.index_cast %get3A_992 : i32 to index
      %get3A_995 = arith.index_cast %mul3A_948 : i32 to index
      %get3A_996 = tpu.vector_load %arg5[%get3A_993, %get3A_994, %get3A_995] {strides = array<i32>} : memref<2x16x2048xf32, #tpu.memory_space<vmem>>, vector<16xf32>,
      %max3A_997 = arith.maximumf %scan3A_937, %get3A_996 : vector<16xf32>
      %get3A_998 = arith.constant 0 : i32
      %get3A_999 = arith.constant 7 : i32
      %get3A_1000 = arith.index_cast %get3A_998 : i32 to index
      %get3A_1001 = arith.index_cast %get3A_999 : i32 to index
      %get3A_1002 = arith.index_cast %mul3A_948 : i32 to index
      %get3A_1003 = tpu.vector_load %arg5[%get3A_1000, %get3A_1001, %get3A_1002] {strides = array<i32>} : memref<2x16x2048xf32, #tpu.memory_space<vmem>>, vector<16xf32>,
      %max3A_1004 = arith.maximumf %scan3A_938, %get3A_1003 : vector<16xf32>
      %get3A_1005 = arith.constant 0 : i32
      %get3A_1006 = arith.constant 8 : i32
      %get3A_1007 = arith.index_cast %get3A_1005 : i32 to index
      %get3A_1008 = arith.index_cast %get3A_1006 : i32 to index
      %get3A_1009 = arith.index_cast %mul3A_948 : i32 to index
      %get3A_1010 = tpu.vector_load %arg5[%get3A_1007, %get3A_1008, %get3A_1009] {strides = array<i32>} : memref<2x16x2048xf32, #tpu.memory_space<vmem>>, vector<16xf32>,
      %max3A_1011 = arith.maximumf %scan3A_939, %get3A_1010 : vector<16xf32>
      %get3A_1012 = arith.constant 0 : i32
      %get3A_1013 = arith.constant 9 : i32
      %get3A_1014 = arith.index_cast %get3A_1012 : i32 to index
      %get3A_1015 = arith.index_cast %get3A_1013 : i32 to index
      %get3A_1016 = arith.index_cast %mul3A_948 : i32 to index
      %get3A_1017 = tpu.vector_load %arg5[%get3A_1014, %get3A_1015, %get3A_1016] {strides = array<i32>} : memref<2x16x2048xf32, #tpu.memory_space<vmem>>, vector<16xf32>,
      %max3A_1018 = arith.maximumf %scan3A_940, %get3A_1017 : vector<16xf32>
      %get3A_1019 = arith.constant 0 : i32
      %get3A_1020 = arith.constant 10 : i32
      %get3A_1021 = arith.index_cast %get3A_1019 : i32 to index
      %get3A_1022 = arith.index_cast %get3A_1020 : i32 to index
      %get3A_1023 = arith.index_cast %mul3A_948 : i32 to index
      %get3A_1024 = tpu.vector_load %arg5[%get3A_1021, %get3A_1022, %get3A_1023] {strides = array<i32>} : memref<2x16x2048xf32, #tpu.memory_space<vmem>>, vector<16xf32>,
      %max3A_1025 = arith.maximumf %scan3A_941, %get3A_1024 : vector<16xf32>
      %get3A_1026 = arith.constant 0 : i32
      %get3A_1027 = arith.constant 11 : i32
      %get3A_1028 = arith.index_cast %get3A_1026 : i32 to index
      %get3A_1029 = arith.index_cast %get3A_1027 : i32 to index
      %get3A_1030 = arith.index_cast %mul3A_948 : i32 to index
      %get3A_1031 = tpu.vector_load %arg5[%get3A_1028, %get3A_1029, %get3A_1030] {strides = array<i32>} : memref<2x16x2048xf32, #tpu.memory_space<vmem>>, vector<16xf32>,
      %max3A_1032 = arith.maximumf %scan3A_942, %get3A_1031 : vector<16xf32>
      %get3A_1033 = arith.constant 0 : i32
      %get3A_1034 = arith.constant 12 : i32
      %get3A_1035 = arith.index_cast %get3A_1033 : i32 to index
      %get3A_1036 = arith.index_cast %get3A_1034 : i32 to index
      %get3A_1037 = arith.index_cast %mul3A_948 : i32 to index
      %get3A_1038 = tpu.vector_load %arg5[%get3A_1035, %get3A_1036, %get3A_1037] {strides = array<i32>} : memref<2x16x2048xf32, #tpu.memory_space<vmem>>, vector<16xf32>,
      %max3A_1039 = arith.maximumf %scan3A_943, %get3A_1038 : vector<16xf32>
      %get3A_1040 = arith.constant 0 : i32
      %get3A_1041 = arith.constant 13 : i32
      %get3A_1042 = arith.index_cast %get3A_1040 : i32 to index
      %get3A_1043 = arith.index_cast %get3A_1041 : i32 to index
      %get3A_1044 = arith.index_cast %mul3A_948 : i32 to index
      %get3A_1045 = tpu.vector_load %arg5[%get3A_1042, %get3A_1043, %get3A_1044] {strides = array<i32>} : memref<2x16x2048xf32, #tpu.memory_space<vmem>>, vector<16xf32>,
      %max3A_1046 = arith.maximumf %scan3A_944, %get3A_1045 : vector<16xf32>
      %get3A_1047 = arith.constant 0 : i32
      %get3A_1048 = arith.constant 14 : i32
      %get3A_1049 = arith.index_cast %get3A_1047 : i32 to index
      %get3A_1050 = arith.index_cast %get3A_1048 : i32 to index
      %get3A_1051 = arith.index_cast %mul3A_948 : i32 to index
      %get3A_1052 = tpu.vector_load %arg5[%get3A_1049, %get3A_1050, %get3A_1051] {strides = array<i32>} : memref<2x16x2048xf32, #tpu.memory_space<vmem>>, vector<16xf32>,
      %max3A_1053 = arith.maximumf %scan3A_945, %get3A_1052 : vector<16xf32>
      %get3A_1054 = arith.constant 0 : i32
      %get3A_1055 = arith.constant 15 : i32
      %get3A_1056 = arith.index_cast %get3A_1054 : i32 to index
      %get3A_1057 = arith.index_cast %get3A_1055 : i32 to index
      %get3A_1058 = arith.index_cast %mul3A_948 : i32 to index
      %get3A_1059 = tpu.vector_load %arg5[%get3A_1056, %get3A_1057, %get3A_1058] {strides = array<i32>} : memref<2x16x2048xf32, #tpu.memory_space<vmem>>, vector<16xf32>,
      %max3A_1060 = arith.maximumf %scan3A_946, %get3A_1059 : vector<16xf32>
      %add3A_1061 = arith.constant 16 : i32
      %add3A_1062 = arith.addi %mul3A_948, %add3A_1061 : i32
      %get3A_1063 = arith.constant 0 : i32
      %get3A_1064 = arith.constant 0 : i32
      %get3A_1065 = arith.index_cast %get3A_1063 : i32 to index
      %get3A_1066 = arith.index_cast %get3A_1064 : i32 to index
      %get3A_1067 = arith.index_cast %add3A_1062 : i32 to index
      %get3A_1068 = tpu.vector_load %arg5[%get3A_1065, %get3A_1066, %get3A_1067] {strides = array<i32>} : memref<2x16x2048xf32, #tpu.memory_space<vmem>>, vector<16xf32>,
      %max3A_1069 = arith.maximumf %max3A_955, %get3A_1068 : vector<16xf32>
      %add3A_1070 = arith.constant 16 : i32
      %add3A_1071 = arith.addi %mul3A_948, %add3A_1070 : i32
      %get3A_1072 = arith.constant 0 : i32
      %get3A_1073 = arith.constant 1 : i32
      %get3A_1074 = arith.index_cast %get3A_1072 : i32 to index
      %get3A_1075 = arith.index_cast %get3A_1073 : i32 to index
      %get3A_1076 = arith.index_cast %add3A_1071 : i32 to index
      %get3A_1077 = tpu.vector_load %arg5[%get3A_1074, %get3A_1075, %get3A_1076] {strides = array<i32>} : memref<2x16x2048xf32, #tpu.memory_space<vmem>>, vector<16xf32>,
      %max3A_1078 = arith.maximumf %max3A_962, %get3A_1077 : vector<16xf32>
      %add3A_1079 = arith.constant 16 : i32
      %add3A_1080 = arith.addi %mul3A_948, %add3A_1079 : i32
      %get3A_1081 = arith.constant 0 : i32
      %get3A_1082 = arith.constant 2 : i32
      %get3A_1083 = arith.index_cast %get3A_1081 : i32 to index
      %get3A_1084 = arith.index_cast %get3A_1082 : i32 to index
      %get3A_1085 = arith.index_cast %add3A_1080 : i32 to index
      %get3A_1086 = tpu.vector_load %arg5[%get3A_1083, %get3A_1084, %get3A_1085] {strides = array<i32>} : memref<2x16x2048xf32, #tpu.memory_space<vmem>>, vector<16xf32>,
      %max3A_1087 = arith.maximumf %max3A_969, %get3A_1086 : vector<16xf32>
      %add3A_1088 = arith.constant 16 : i32
      %add3A_1089 = arith.addi %mul3A_948, %add3A_1088 : i32
      %get3A_1090 = arith.constant 0 : i32
      %get3A_1091 = arith.constant 3 : i32
      %get3A_1092 = arith.index_cast %get3A_1090 : i32 to index
      %get3A_1093 = arith.index_cast %get3A_1091 : i32 to index
      %get3A_1094 = arith.index_cast %add3A_1089 : i32 to index
      %get3A_1095 = tpu.vector_load %arg5[%get3A_1092, %get3A_1093, %get3A_1094] {strides = array<i32>} : memref<2x16x2048xf32, #tpu.memory_space<vmem>>, vector<16xf32>,
      %max3A_1096 = arith.maximumf %max3A_976, %get3A_1095 : vector<16xf32>
      %add3A_1097 = arith.constant 16 : i32
      %add3A_1098 = arith.addi %mul3A_948, %add3A_1097 : i32
      %get3A_1099 = arith.constant 0 : i32
      %get3A_1100 = arith.constant 4 : i32
      %get3A_1101 = arith.index_cast %get3A_1099 : i32 to index
      %get3A_1102 = arith.index_cast %get3A_1100 : i32 to index
      %get3A_1103 = arith.index_cast %add3A_1098 : i32 to index
      %get3A_1104 = tpu.vector_load %arg5[%get3A_1101, %get3A_1102, %get3A_1103] {strides = array<i32>} : memref<2x16x2048xf32, #tpu.memory_space<vmem>>, vector<16xf32>,
      %max3A_1105 = arith.maximumf %max3A_983, %get3A_1104 : vector<16xf32>
      %add3A_1106 = arith.constant 16 : i32
      %add3A_1107 = arith.addi %mul3A_948, %add3A_1106 : i32
      %get3A_1108 = arith.constant 0 : i32
      %get3A_1109 = arith.constant 5 : i32
      %get3A_1110 = arith.index_cast %get3A_1108 : i32 to index
      %get3A_1111 = arith.index_cast %get3A_1109 : i32 to index
      %get3A_1112 = arith.index_cast %add3A_1107 : i32 to index
      %get3A_1113 = tpu.vector_load %arg5[%get3A_1110, %get3A_1111, %get3A_1112] {strides = array<i32>} : memref<2x16x2048xf32, #tpu.memory_space<vmem>>, vector<16xf32>,
      %max3A_1114 = arith.maximumf %max3A_990, %get3A_1113 : vector<16xf32>
      %add3A_1115 = arith.constant 16 : i32
      %add3A_1116 = arith.addi %mul3A_948, %add3A_1115 : i32
      %get3A_1117 = arith.constant 0 : i32
      %get3A_1118 = arith.constant 6 : i32
      %get3A_1119 = arith.index_cast %get3A_1117 : i32 to index
      %get3A_1120 = arith.index_cast %get3A_1118 : i32 to index
      %get3A_1121 = arith.index_cast %add3A_1116 : i32 to index
      %get3A_1122 = tpu.vector_load %arg5[%get3A_1119, %get3A_1120, %get3A_1121] {strides = array<i32>} : memref<2x16x2048xf32, #tpu.memory_space<vmem>>, vector<16xf32>,
      %max3A_1123 = arith.maximumf %max3A_997, %get3A_1122 : vector<16xf32>
      %add3A_1124 = arith.constant 16 : i32
      %add3A_1125 = arith.addi %mul3A_948, %add3A_1124 : i32
      %get3A_1126 = arith.constant 0 : i32
      %get3A_1127 = arith.constant 7 : i32
      %get3A_1128 = arith.index_cast %get3A_1126 : i32 to index
      %get3A_1129 = arith.index_cast %get3A_1127 : i32 to index
      %get3A_1130 = arith.index_cast %add3A_1125 : i32 to index
      %get3A_1131 = tpu.vector_load %arg5[%get3A_1128, %get3A_1129, %get3A_1130] {strides = array<i32>} : memref<2x16x2048xf32, #tpu.memory_space<vmem>>, vector<16xf32>,
      %max3A_1132 = arith.maximumf %max3A_1004, %get3A_1131 : vector<16xf32>
      %add3A_1133 = arith.constant 16 : i32
      %add3A_1134 = arith.addi %mul3A_948, %add3A_1133 : i32
      %get3A_1135 = arith.constant 0 : i32
      %get3A_1136 = arith.constant 8 : i32
      %get3A_1137 = arith.index_cast %get3A_1135 : i32 to index
      %get3A_1138 = arith.index_cast %get3A_1136 : i32 to index
      %get3A_1139 = arith.index_cast %add3A_1134 : i32 to index
      %get3A_1140 = tpu.vector_load %arg5[%get3A_1137, %get3A_1138, %get3A_1139] {strides = array<i32>} : memref<2x16x2048xf32, #tpu.memory_space<vmem>>, vector<16xf32>,
      %max3A_1141 = arith.maximumf %max3A_1011, %get3A_1140 : vector<16xf32>
      %add3A_1142 = arith.constant 16 : i32
      %add3A_1143 = arith.addi %mul3A_948, %add3A_1142 : i32
      %get3A_1144 = arith.constant 0 : i32
      %get3A_1145 = arith.constant 9 : i32
      %get3A_1146 = arith.index_cast %get3A_1144 : i32 to index
      %get3A_1147 = arith.index_cast %get3A_1145 : i32 to index
      %get3A_1148 = arith.index_cast %add3A_1143 : i32 to index
      %get3A_1149 = tpu.vector_load %arg5[%get3A_1146, %get3A_1147, %get3A_1148] {strides = array<i32>} : memref<2x16x2048xf32, #tpu.memory_space<vmem>>, vector<16xf32>,
      %max3A_1150 = arith.maximumf %max3A_1018, %get3A_1149 : vector<16xf32>
      %add3A_1151 = arith.constant 16 : i32
      %add3A_1152 = arith.addi %mul3A_948, %add3A_1151 : i32
      %get3A_1153 = arith.constant 0 : i32
      %get3A_1154 = arith.constant 10 : i32
      %get3A_1155 = arith.index_cast %get3A_1153 : i32 to index
      %get3A_1156 = arith.index_cast %get3A_1154 : i32 to index
      %get3A_1157 = arith.index_cast %add3A_1152 : i32 to index
      %get3A_1158 = tpu.vector_load %arg5[%get3A_1155, %get3A_1156, %get3A_1157] {strides = array<i32>} : memref<2x16x2048xf32, #tpu.memory_space<vmem>>, vector<16xf32>,
      %max3A_1159 = arith.maximumf %max3A_1025, %get3A_1158 : vector<16xf32>
      %add3A_1160 = arith.constant 16 : i32
      %add3A_1161 = arith.addi %mul3A_948, %add3A_1160 : i32
      %get3A_1162 = arith.constant 0 : i32
      %get3A_1163 = arith.constant 11 : i32
      %get3A_1164 = arith.index_cast %get3A_1162 : i32 to index
      %get3A_1165 = arith.index_cast %get3A_1163 : i32 to index
      %get3A_1166 = arith.index_cast %add3A_1161 : i32 to index
      %get3A_1167 = tpu.vector_load %arg5[%get3A_1164, %get3A_1165, %get3A_1166] {strides = array<i32>} : memref<2x16x2048xf32, #tpu.memory_space<vmem>>, vector<16xf32>,
      %max3A_1168 = arith.maximumf %max3A_1032, %get3A_1167 : vector<16xf32>
      %add3A_1169 = arith.constant 16 : i32
      %add3A_1170 = arith.addi %mul3A_948, %add3A_1169 : i32
      %get3A_1171 = arith.constant 0 : i32
      %get3A_1172 = arith.constant 12 : i32
      %get3A_1173 = arith.index_cast %get3A_1171 : i32 to index
      %get3A_1174 = arith.index_cast %get3A_1172 : i32 to index
      %get3A_1175 = arith.index_cast %add3A_1170 : i32 to index
      %get3A_1176 = tpu.vector_load %arg5[%get3A_1173, %get3A_1174, %get3A_1175] {strides = array<i32>} : memref<2x16x2048xf32, #tpu.memory_space<vmem>>, vector<16xf32>,
      %max3A_1177 = arith.maximumf %max3A_1039, %get3A_1176 : vector<16xf32>
      %add3A_1178 = arith.constant 16 : i32
      %add3A_1179 = arith.addi %mul3A_948, %add3A_1178 : i32
      %get3A_1180 = arith.constant 0 : i32
      %get3A_1181 = arith.constant 13 : i32
      %get3A_1182 = arith.index_cast %get3A_1180 : i32 to index
      %get3A_1183 = arith.index_cast %get3A_1181 : i32 to index
      %get3A_1184 = arith.index_cast %add3A_1179 : i32 to index
      %get3A_1185 = tpu.vector_load %arg5[%get3A_1182, %get3A_1183, %get3A_1184] {strides = array<i32>} : memref<2x16x2048xf32, #tpu.memory_space<vmem>>, vector<16xf32>,
      %max3A_1186 = arith.maximumf %max3A_1046, %get3A_1185 : vector<16xf32>
      %add3A_1187 = arith.constant 16 : i32
      %add3A_1188 = arith.addi %mul3A_948, %add3A_1187 : i32
      %get3A_1189 = arith.constant 0 : i32
      %get3A_1190 = arith.constant 14 : i32
      %get3A_1191 = arith.index_cast %get3A_1189 : i32 to index
      %get3A_1192 = arith.index_cast %get3A_1190 : i32 to index
      %get3A_1193 = arith.index_cast %add3A_1188 : i32 to index
      %get3A_1194 = tpu.vector_load %arg5[%get3A_1191, %get3A_1192, %get3A_1193] {strides = array<i32>} : memref<2x16x2048xf32, #tpu.memory_space<vmem>>, vector<16xf32>,
      %max3A_1195 = arith.maximumf %max3A_1053, %get3A_1194 : vector<16xf32>
      %add3A_1196 = arith.constant 16 : i32
      %add3A_1197 = arith.addi %mul3A_948, %add3A_1196 : i32
      %get3A_1198 = arith.constant 0 : i32
      %get3A_1199 = arith.constant 15 : i32
      %get3A_1200 = arith.index_cast %get3A_1198 : i32 to index
      %get3A_1201 = arith.index_cast %get3A_1199 : i32 to index
      %get3A_1202 = arith.index_cast %add3A_1197 : i32 to index
      %get3A_1203 = tpu.vector_load %arg5[%get3A_1200, %get3A_1201, %get3A_1202] {strides = array<i32>} : memref<2x16x2048xf32, #tpu.memory_space<vmem>>, vector<16xf32>,
      %max3A_1204 = arith.maximumf %max3A_1060, %get3A_1203 : vector<16xf32>
      scf.yield %max3A_1069, %max3A_1078, %max3A_1087, %max3A_1096, %max3A_1105, %max3A_1114, %max3A_1123, %max3A_1132, %max3A_1141, %max3A_1150, %max3A_1159, %max3A_1168, %max3A_1177, %max3A_1186, %max3A_1195, %max3A_1204 : vector<16xf32>, vector<16xf32>, vector<16xf32>, vector<16xf32>, vector<16xf32>, vector<16xf32>, vector<16xf32>, vector<16xf32>, vector<16xf32>, vector<16xf32>, vector<16xf32>, vector<16xf32>, vector<16xf32>, vector<16xf32>, vector<16xf32>, vector<16xf32>
    }
    %scan3A_268 = arith.constant 63 : i32
    %broadcast_in_dim3A_269 = arith.constant 0.000000e+00 : f32
    %broadcast_in_dim3A_270 = vector.broadcast %broadcast_in_dim3A_269 : f32 to vector<16xf32>
    %reduce_max3A = arith.constant true
    %reduce_max3A_271 = vector.broadcast %reduce_max3A : i1 to vector<16xi1>
    %reduce_max3A_272 = tpu.scan <max>, %scan3A_267#0 masked %reduce_max3A_271 : vector<16xf32>, vector<16xi1> -> vector<16xf32>
    %reduce_max3A_273 = vector.extract %reduce_max3A_272[15] : f32 from vector<16xf32>
    %eq3A = arith.constant 0 : i32
    %eq3A_274 = vector.broadcast %eq3A : i32 to vector<16xi32>
    %eq3A_275 = arith.cmpi eq, %iota3A, %eq3A_274 : vector<16xi32>
    %broadcast_in_dim3A_276 = vector.broadcast %reduce_max3A_273 : f32 to vector<16xf32>
    %select_n3A = arith.select %eq3A_275, %broadcast_in_dim3A_276, %broadcast_in_dim3A_270 : vector<16xi1>, vector<16xf32>
    %reduce_max3A_277 = arith.constant true
    %reduce_max3A_278 = vector.broadcast %reduce_max3A_277 : i1 to vector<16xi1>
    %reduce_max3A_279 = tpu.scan <max>, %scan3A_267#1 masked %reduce_max3A_278 : vector<16xf32>, vector<16xi1> -> vector<16xf32>
    %reduce_max3A_280 = vector.extract %reduce_max3A_279[15] : f32 from vector<16xf32>
    %eq3A_281 = arith.constant 1 : i32
    %eq3A_282 = vector.broadcast %eq3A_281 : i32 to vector<16xi32>
    %eq3A_283 = arith.cmpi eq, %iota3A, %eq3A_282 : vector<16xi32>
    %broadcast_in_dim3A_284 = vector.broadcast %reduce_max3A_280 : f32 to vector<16xf32>
    %select_n3A_285 = arith.select %eq3A_283, %broadcast_in_dim3A_284, %select_n3A : vector<16xi1>, vector<16xf32>
    %reduce_max3A_286 = arith.constant true
    %reduce_max3A_287 = vector.broadcast %reduce_max3A_286 : i1 to vector<16xi1>
    %reduce_max3A_288 = tpu.scan <max>, %scan3A_267#2 masked %reduce_max3A_287 : vector<16xf32>, vector<16xi1> -> vector<16xf32>
    %reduce_max3A_289 = vector.extract %reduce_max3A_288[15] : f32 from vector<16xf32>
    %eq3A_290 = arith.constant 2 : i32
    %eq3A_291 = vector.broadcast %eq3A_290 : i32 to vector<16xi32>
    %eq3A_292 = arith.cmpi eq, %iota3A, %eq3A_291 : vector<16xi32>
    %broadcast_in_dim3A_293 = vector.broadcast %reduce_max3A_289 : f32 to vector<16xf32>
    %select_n3A_294 = arith.select %eq3A_292, %broadcast_in_dim3A_293, %select_n3A_285 : vector<16xi1>, vector<16xf32>
    %reduce_max3A_295 = arith.constant true
    %reduce_max3A_296 = vector.broadcast %reduce_max3A_295 : i1 to vector<16xi1>
    %reduce_max3A_297 = tpu.scan <max>, %scan3A_267#3 masked %reduce_max3A_296 : vector<16xf32>, vector<16xi1> -> vector<16xf32>
    %reduce_max3A_298 = vector.extract %reduce_max3A_297[15] : f32 from vector<16xf32>
    %eq3A_299 = arith.constant 3 : i32
    %eq3A_300 = vector.broadcast %eq3A_299 : i32 to vector<16xi32>
    %eq3A_301 = arith.cmpi eq, %iota3A, %eq3A_300 : vector<16xi32>
    %broadcast_in_dim3A_302 = vector.broadcast %reduce_max3A_298 : f32 to vector<16xf32>
    %select_n3A_303 = arith.select %eq3A_301, %broadcast_in_dim3A_302, %select_n3A_294 : vector<16xi1>, vector<16xf32>
    %reduce_max3A_304 = arith.constant true
    %reduce_max3A_305 = vector.broadcast %reduce_max3A_304 : i1 to vector<16xi1>
    %reduce_max3A_306 = tpu.scan <max>, %scan3A_267#4 masked %reduce_max3A_305 : vector<16xf32>, vector<16xi1> -> vector<16xf32>
    %reduce_max3A_307 = vector.extract %reduce_max3A_306[15] : f32 from vector<16xf32>
    %eq3A_308 = arith.constant 4 : i32
    %eq3A_309 = vector.broadcast %eq3A_308 : i32 to vector<16xi32>
    %eq3A_310 = arith.cmpi eq, %iota3A, %eq3A_309 : vector<16xi32>
    %broadcast_in_dim3A_311 = vector.broadcast %reduce_max3A_307 : f32 to vector<16xf32>
    %select_n3A_312 = arith.select %eq3A_310, %broadcast_in_dim3A_311, %select_n3A_303 : vector<16xi1>, vector<16xf32>
    %reduce_max3A_313 = arith.constant true
    %reduce_max3A_314 = vector.broadcast %reduce_max3A_313 : i1 to vector<16xi1>
    %reduce_max3A_315 = tpu.scan <max>, %scan3A_267#5 masked %reduce_max3A_314 : vector<16xf32>, vector<16xi1> -> vector<16xf32>
    %reduce_max3A_316 = vector.extract %reduce_max3A_315[15] : f32 from vector<16xf32>
    %eq3A_317 = arith.constant 5 : i32
    %eq3A_318 = vector.broadcast %eq3A_317 : i32 to vector<16xi32>
    %eq3A_319 = arith.cmpi eq, %iota3A, %eq3A_318 : vector<16xi32>
    %broadcast_in_dim3A_320 = vector.broadcast %reduce_max3A_316 : f32 to vector<16xf32>
    %select_n3A_321 = arith.select %eq3A_319, %broadcast_in_dim3A_320, %select_n3A_312 : vector<16xi1>, vector<16xf32>
    %reduce_max3A_322 = arith.constant true
    %reduce_max3A_323 = vector.broadcast %reduce_max3A_322 : i1 to vector<16xi1>
    %reduce_max3A_324 = tpu.scan <max>, %scan3A_267#6 masked %reduce_max3A_323 : vector<16xf32>, vector<16xi1> -> vector<16xf32>
    %reduce_max3A_325 = vector.extract %reduce_max3A_324[15] : f32 from vector<16xf32>
    %eq3A_326 = arith.constant 6 : i32
    %eq3A_327 = vector.broadcast %eq3A_326 : i32 to vector<16xi32>
    %eq3A_328 = arith.cmpi eq, %iota3A, %eq3A_327 : vector<16xi32>
    %broadcast_in_dim3A_329 = vector.broadcast %reduce_max3A_325 : f32 to vector<16xf32>
    %select_n3A_330 = arith.select %eq3A_328, %broadcast_in_dim3A_329, %select_n3A_321 : vector<16xi1>, vector<16xf32>
    %reduce_max3A_331 = arith.constant true
    %reduce_max3A_332 = vector.broadcast %reduce_max3A_331 : i1 to vector<16xi1>
    %reduce_max3A_333 = tpu.scan <max>, %scan3A_267#7 masked %reduce_max3A_332 : vector<16xf32>, vector<16xi1> -> vector<16xf32>
    %reduce_max3A_334 = vector.extract %reduce_max3A_333[15] : f32 from vector<16xf32>
    %eq3A_335 = arith.constant 7 : i32
    %eq3A_336 = vector.broadcast %eq3A_335 : i32 to vector<16xi32>
    %eq3A_337 = arith.cmpi eq, %iota3A, %eq3A_336 : vector<16xi32>
    %broadcast_in_dim3A_338 = vector.broadcast %reduce_max3A_334 : f32 to vector<16xf32>
    %select_n3A_339 = arith.select %eq3A_337, %broadcast_in_dim3A_338, %select_n3A_330 : vector<16xi1>, vector<16xf32>
    %reduce_max3A_340 = arith.constant true
    %reduce_max3A_341 = vector.broadcast %reduce_max3A_340 : i1 to vector<16xi1>
    %reduce_max3A_342 = tpu.scan <max>, %scan3A_267#8 masked %reduce_max3A_341 : vector<16xf32>, vector<16xi1> -> vector<16xf32>
    %reduce_max3A_343 = vector.extract %reduce_max3A_342[15] : f32 from vector<16xf32>
    %eq3A_344 = arith.constant 8 : i32
    %eq3A_345 = vector.broadcast %eq3A_344 : i32 to vector<16xi32>
    %eq3A_346 = arith.cmpi eq, %iota3A, %eq3A_345 : vector<16xi32>
    %broadcast_in_dim3A_347 = vector.broadcast %reduce_max3A_343 : f32 to vector<16xf32>
    %select_n3A_348 = arith.select %eq3A_346, %broadcast_in_dim3A_347, %select_n3A_339 : vector<16xi1>, vector<16xf32>
    %reduce_max3A_349 = arith.constant true
    %reduce_max3A_350 = vector.broadcast %reduce_max3A_349 : i1 to vector<16xi1>
    %reduce_max3A_351 = tpu.scan <max>, %scan3A_267#9 masked %reduce_max3A_350 : vector<16xf32>, vector<16xi1> -> vector<16xf32>
    %reduce_max3A_352 = vector.extract %reduce_max3A_351[15] : f32 from vector<16xf32>
    %eq3A_353 = arith.constant 9 : i32
    %eq3A_354 = vector.broadcast %eq3A_353 : i32 to vector<16xi32>
    %eq3A_355 = arith.cmpi eq, %iota3A, %eq3A_354 : vector<16xi32>
    %broadcast_in_dim3A_356 = vector.broadcast %reduce_max3A_352 : f32 to vector<16xf32>
    %select_n3A_357 = arith.select %eq3A_355, %broadcast_in_dim3A_356, %select_n3A_348 : vector<16xi1>, vector<16xf32>
    %reduce_max3A_358 = arith.constant true
    %reduce_max3A_359 = vector.broadcast %reduce_max3A_358 : i1 to vector<16xi1>
    %reduce_max3A_360 = tpu.scan <max>, %scan3A_267#10 masked %reduce_max3A_359 : vector<16xf32>, vector<16xi1> -> vector<16xf32>
    %reduce_max3A_361 = vector.extract %reduce_max3A_360[15] : f32 from vector<16xf32>
    %eq3A_362 = arith.constant 10 : i32
    %eq3A_363 = vector.broadcast %eq3A_362 : i32 to vector<16xi32>
    %eq3A_364 = arith.cmpi eq, %iota3A, %eq3A_363 : vector<16xi32>
    %broadcast_in_dim3A_365 = vector.broadcast %reduce_max3A_361 : f32 to vector<16xf32>
    %select_n3A_366 = arith.select %eq3A_364, %broadcast_in_dim3A_365, %select_n3A_357 : vector<16xi1>, vector<16xf32>
    %reduce_max3A_367 = arith.constant true
    %reduce_max3A_368 = vector.broadcast %reduce_max3A_367 : i1 to vector<16xi1>
    %reduce_max3A_369 = tpu.scan <max>, %scan3A_267#11 masked %reduce_max3A_368 : vector<16xf32>, vector<16xi1> -> vector<16xf32>
    %reduce_max3A_370 = vector.extract %reduce_max3A_369[15] : f32 from vector<16xf32>
    %eq3A_371 = arith.constant 11 : i32
    %eq3A_372 = vector.broadcast %eq3A_371 : i32 to vector<16xi32>
    %eq3A_373 = arith.cmpi eq, %iota3A, %eq3A_372 : vector<16xi32>
    %broadcast_in_dim3A_374 = vector.broadcast %reduce_max3A_370 : f32 to vector<16xf32>
    %select_n3A_375 = arith.select %eq3A_373, %broadcast_in_dim3A_374, %select_n3A_366 : vector<16xi1>, vector<16xf32>
    %reduce_max3A_376 = arith.constant true
    %reduce_max3A_377 = vector.broadcast %reduce_max3A_376 : i1 to vector<16xi1>
    %reduce_max3A_378 = tpu.scan <max>, %scan3A_267#12 masked %reduce_max3A_377 : vector<16xf32>, vector<16xi1> -> vector<16xf32>
    %reduce_max3A_379 = vector.extract %reduce_max3A_378[15] : f32 from vector<16xf32>
    %eq3A_380 = arith.constant 12 : i32
    %eq3A_381 = vector.broadcast %eq3A_380 : i32 to vector<16xi32>
    %eq3A_382 = arith.cmpi eq, %iota3A, %eq3A_381 : vector<16xi32>
    %broadcast_in_dim3A_383 = vector.broadcast %reduce_max3A_379 : f32 to vector<16xf32>
    %select_n3A_384 = arith.select %eq3A_382, %broadcast_in_dim3A_383, %select_n3A_375 : vector<16xi1>, vector<16xf32>
    %reduce_max3A_385 = arith.constant true
    %reduce_max3A_386 = vector.broadcast %reduce_max3A_385 : i1 to vector<16xi1>
    %reduce_max3A_387 = tpu.scan <max>, %scan3A_267#13 masked %reduce_max3A_386 : vector<16xf32>, vector<16xi1> -> vector<16xf32>
    %reduce_max3A_388 = vector.extract %reduce_max3A_387[15] : f32 from vector<16xf32>
    %eq3A_389 = arith.constant 13 : i32
    %eq3A_390 = vector.broadcast %eq3A_389 : i32 to vector<16xi32>
    %eq3A_391 = arith.cmpi eq, %iota3A, %eq3A_390 : vector<16xi32>
    %broadcast_in_dim3A_392 = vector.broadcast %reduce_max3A_388 : f32 to vector<16xf32>
    %select_n3A_393 = arith.select %eq3A_391, %broadcast_in_dim3A_392, %select_n3A_384 : vector<16xi1>, vector<16xf32>
    %reduce_max3A_394 = arith.constant true
    %reduce_max3A_395 = vector.broadcast %reduce_max3A_394 : i1 to vector<16xi1>
    %reduce_max3A_396 = tpu.scan <max>, %scan3A_267#14 masked %reduce_max3A_395 : vector<16xf32>, vector<16xi1> -> vector<16xf32>
    %reduce_max3A_397 = vector.extract %reduce_max3A_396[15] : f32 from vector<16xf32>
    %eq3A_398 = arith.constant 14 : i32
    %eq3A_399 = vector.broadcast %eq3A_398 : i32 to vector<16xi32>
    %eq3A_400 = arith.cmpi eq, %iota3A, %eq3A_399 : vector<16xi32>
    %broadcast_in_dim3A_401 = vector.broadcast %reduce_max3A_397 : f32 to vector<16xf32>
    %select_n3A_402 = arith.select %eq3A_400, %broadcast_in_dim3A_401, %select_n3A_393 : vector<16xi1>, vector<16xf32>
    %reduce_max3A_403 = arith.constant true
    %reduce_max3A_404 = vector.broadcast %reduce_max3A_403 : i1 to vector<16xi1>
    %reduce_max3A_405 = tpu.scan <max>, %scan3A_267#15 masked %reduce_max3A_404 : vector<16xf32>, vector<16xi1> -> vector<16xf32>
    %reduce_max3A_406 = vector.extract %reduce_max3A_405[15] : f32 from vector<16xf32>
    %eq3A_407 = arith.constant 15 : i32
    %eq3A_408 = vector.broadcast %eq3A_407 : i32 to vector<16xi32>
    %eq3A_409 = arith.cmpi eq, %iota3A, %eq3A_408 : vector<16xi32>
    %broadcast_in_dim3A_410 = vector.broadcast %reduce_max3A_406 : f32 to vector<16xf32>
    %select_n3A_411 = arith.select %eq3A_409, %broadcast_in_dim3A_410, %select_n3A_402 : vector<16xi1>, vector<16xf32>
    %gt3A = arith.constant 8.000000e-01 : f32
    %gt3A_412 = vector.broadcast %gt3A : f32 to vector<16xf32>
    %gt3A_413 = arith.cmpf ogt, %select_n3A_411, %gt3A_412 : vector<16xf32>
    %sub3A = arith.constant 1.000000e+00 : f32
    %sub3A_414 = vector.broadcast %sub3A : f32 to vector<16xf32>
    %sub3A_415 = arith.subf %sub3A_414, %select_n3A_411 : vector<16xf32>
    %jit3A = arith.constant 0.000000e+00 : f32
    %broadcast_in_dim3A_416 = vector.broadcast %jit3A : f32 to vector<16xf32>
    %select_n3A_417 = arith.select %gt3A_413, %sub3A_415, %broadcast_in_dim3A_416 : vector<16xi1>, vector<16xf32>
    %broadcast_in_dim3A_418 = arith.constant 0.0833333358 : f32
    %broadcast_in_dim3A_419 = vector.broadcast %broadcast_in_dim3A_418 : f32 to vector<16xf32>
    %mul3A_420 = arith.mulf %broadcast_in_dim3A_419, %select_n3A_417 : vector<16xf32>
    %add3A_421 = arith.constant 0.0909090936 : f32
    %add3A_422 = vector.broadcast %add3A_421 : f32 to vector<16xf32>
    %add3A_423 = arith.addf %mul3A_420, %add3A_422 : vector<16xf32>
    %mul3A_424 = arith.mulf %add3A_423, %select_n3A_417 : vector<16xf32>
    %add3A_425 = arith.constant 1.000000e-01 : f32
    %add3A_426 = vector.broadcast %add3A_425 : f32 to vector<16xf32>
    %add3A_427 = arith.addf %mul3A_424, %add3A_426 : vector<16xf32>
    %mul3A_428 = arith.mulf %add3A_427, %select_n3A_417 : vector<16xf32>
    %add3A_429 = arith.constant 0.111111112 : f32
    %add3A_430 = vector.broadcast %add3A_429 : f32 to vector<16xf32>
    %add3A_431 = arith.addf %mul3A_428, %add3A_430 : vector<16xf32>
    %mul3A_432 = arith.mulf %add3A_431, %select_n3A_417 : vector<16xf32>
    %add3A_433 = arith.constant 1.250000e-01 : f32
    %add3A_434 = vector.broadcast %add3A_433 : f32 to vector<16xf32>
    %add3A_435 = arith.addf %mul3A_432, %add3A_434 : vector<16xf32>
    %mul3A_436 = arith.mulf %add3A_435, %select_n3A_417 : vector<16xf32>
    %add3A_437 = arith.constant 0.142857149 : f32
    %add3A_438 = vector.broadcast %add3A_437 : f32 to vector<16xf32>
    %add3A_439 = arith.addf %mul3A_436, %add3A_438 : vector<16xf32>
    %mul3A_440 = arith.mulf %add3A_439, %select_n3A_417 : vector<16xf32>
    %add3A_441 = arith.constant 0.166666672 : f32
    %add3A_442 = vector.broadcast %add3A_441 : f32 to vector<16xf32>
    %add3A_443 = arith.addf %mul3A_440, %add3A_442 : vector<16xf32>
    %mul3A_444 = arith.mulf %add3A_443, %select_n3A_417 : vector<16xf32>
    %add3A_445 = arith.constant 2.000000e-01 : f32
    %add3A_446 = vector.broadcast %add3A_445 : f32 to vector<16xf32>
    %add3A_447 = arith.addf %mul3A_444, %add3A_446 : vector<16xf32>
    %mul3A_448 = arith.mulf %add3A_447, %select_n3A_417 : vector<16xf32>
    %add3A_449 = arith.constant 2.500000e-01 : f32
    %add3A_450 = vector.broadcast %add3A_449 : f32 to vector<16xf32>
    %add3A_451 = arith.addf %mul3A_448, %add3A_450 : vector<16xf32>
    %mul3A_452 = arith.mulf %add3A_451, %select_n3A_417 : vector<16xf32>
    %add3A_453 = arith.constant 0.333333343 : f32
    %add3A_454 = vector.broadcast %add3A_453 : f32 to vector<16xf32>
    %add3A_455 = arith.addf %mul3A_452, %add3A_454 : vector<16xf32>
    %mul3A_456 = arith.mulf %add3A_455, %select_n3A_417 : vector<16xf32>
    %add3A_457 = arith.constant 5.000000e-01 : f32
    %add3A_458 = vector.broadcast %add3A_457 : f32 to vector<16xf32>
    %add3A_459 = arith.addf %mul3A_456, %add3A_458 : vector<16xf32>
    %mul3A_460 = arith.mulf %add3A_459, %select_n3A_417 : vector<16xf32>
    %add3A_461 = arith.constant 1.000000e+00 : f32
    %add3A_462 = vector.broadcast %add3A_461 : f32 to vector<16xf32>
    %add3A_463 = arith.addf %mul3A_460, %add3A_462 : vector<16xf32>
    %mul3A_464 = arith.mulf %select_n3A_417, %add3A_463 : vector<16xf32>
    %mul3A_465 = arith.mulf %select_n3A_417, %select_n3A_417 : vector<16xf32>
    %mul3A_466 = arith.mulf %mul3A_465, %mul3A_464 : vector<16xf32>
    %add3A_467 = arith.addf %broadcast_in_dim3A_5, %mul3A_466 : vector<16xf32>
    %jit3A_468 = arith.constant 1.000000e+00 : f32
    %jit3A_469 = arith.constant 0.000000e+00 : f32
    %broadcast_in_dim3A_470 = vector.broadcast %jit3A_468 : f32 to vector<16xf32>
    %broadcast_in_dim3A_471 = vector.broadcast %jit3A_469 : f32 to vector<16xf32>
    %select_n3A_472 = arith.select %gt3A_413, %broadcast_in_dim3A_470, %broadcast_in_dim3A_471 : vector<16xi1>, vector<16xf32>
    %add3A_473 = arith.addf %broadcast_in_dim3A_7, %select_n3A_472 : vector<16xf32>
    %dma_wait3A_474 = arith.constant 0 : i32
    %dma_wait3A_475 = arith.constant 1 : i32
    %dma_wait3A_476 = arith.constant 0 : i32
    %dma_wait3A_477 = arith.constant 0 : i32
    %dma_wait3A_478 = tpu.memref_slice %arg5[%dma_wait3A_475, %dma_wait3A_476, %dma_wait3A_477] : memref<2x16x2048xf32, #tpu.memory_space<vmem>> -> memref<1x16x2048xf32, #tpu.memory_space<vmem>>
    %dma_wait3A_479 = tpu.memref_squeeze %dma_wait3A_478 : memref<1x16x2048xf32, #tpu.memory_space<vmem>> -> memref<16x2048xf32, #tpu.memory_space<vmem>>
    %dma_wait3A_480 = arith.constant 0 : i32
    %dma_wait3A_481 = tpu.memref_slice %arg2[%dma_wait3A_474, %add3A_26, %dma_wait3A_480] : memref<4x4096x2048xf32, #tpu.memory_space<hbm>> -> memref<1x16x2048xf32, #tpu.memory_space<hbm>>
    %dma_wait3A_482 = tpu.memref_squeeze %dma_wait3A_481 : memref<1x16x2048xf32, #tpu.memory_space<hbm>> -> memref<16x2048xf32, #tpu.memory_space<hbm>>
    %dma_wait3A_483 = arith.constant 0 : i32
    %dma_wait3A_484 = arith.constant 0 : i32
    %dma_wait3A_485 = tpu.memref_slice %arg5[%dma_wait3A_475, %dma_wait3A_483, %dma_wait3A_484] : memref<2x16x2048xf32, #tpu.memory_space<vmem>> -> memref<1x16x2048xf32, #tpu.memory_space<vmem>>
    %dma_wait3A_486 = tpu.memref_squeeze %dma_wait3A_485 : memref<1x16x2048xf32, #tpu.memory_space<vmem>> -> memref<16x2048xf32, #tpu.memory_space<vmem>>
    %dma_wait3A_487 = arith.constant 0 : i32
    %dma_wait3A_488 = tpu.memref_slice %arg2[%dma_wait3A_474, %add3A_26, %dma_wait3A_487] : memref<4x4096x2048xf32, #tpu.memory_space<hbm>> -> memref<1x16x2048xf32, #tpu.memory_space<hbm>>
    %dma_wait3A_489 = tpu.memref_squeeze %dma_wait3A_488 : memref<1x16x2048xf32, #tpu.memory_space<hbm>> -> memref<16x2048xf32, #tpu.memory_space<hbm>>
    tpu.wait_dma2 semaphore(%arg8 : memref<!tpu.dma_semaphore, #tpu.memory_space<semaphore_mem>>) src(%dma_wait3A_489 : memref<16x2048xf32, #tpu.memory_space<hbm>>) dst(%dma_wait3A_486 : memref<16x2048xf32, #tpu.memory_space<vmem>>)
    %get3A_490 = arith.constant 1 : i32
    %get3A_491 = arith.constant 0 : i32
    %get3A_492 = arith.index_cast %get3A_490 : i32 to index
    %get3A_493 = arith.index_cast %get3A_491 : i32 to index
    %get3A_494 = arith.constant 0 : index
    %get3A_495 = tpu.vector_load %arg5[%get3A_492, %get3A_493, %get3A_494] {strides = array<i32>} : memref<2x16x2048xf32, #tpu.memory_space<vmem>>, vector<16xf32>,
    %get3A_496 = arith.constant 1 : i32
    %get3A_497 = arith.constant 0 : i32
    %get3A_498 = arith.index_cast %get3A_496 : i32 to index
    %get3A_499 = arith.index_cast %get3A_497 : i32 to index
    %get3A_500 = arith.constant 16 : index
    %get3A_501 = tpu.vector_load %arg5[%get3A_498, %get3A_499, %get3A_500] {strides = array<i32>} : memref<2x16x2048xf32, #tpu.memory_space<vmem>>, vector<16xf32>,
    %max3A_502 = arith.maximumf %get3A_495, %get3A_501 : vector<16xf32>
    %get3A_503 = arith.constant 1 : i32
    %get3A_504 = arith.constant 1 : i32
    %get3A_505 = arith.index_cast %get3A_503 : i32 to index
    %get3A_506 = arith.index_cast %get3A_504 : i32 to index
    %get3A_507 = arith.constant 0 : index
    %get3A_508 = tpu.vector_load %arg5[%get3A_505, %get3A_506, %get3A_507] {strides = array<i32>} : memref<2x16x2048xf32, #tpu.memory_space<vmem>>, vector<16xf32>,
    %get3A_509 = arith.constant 1 : i32
    %get3A_510 = arith.constant 1 : i32
    %get3A_511 = arith.index_cast %get3A_509 : i32 to index
    %get3A_512 = arith.index_cast %get3A_510 : i32 to index
    %get3A_513 = arith.constant 16 : index
    %get3A_514 = tpu.vector_load %arg5[%get3A_511, %get3A_512, %get3A_513] {strides = array<i32>} : memref<2x16x2048xf32, #tpu.memory_space<vmem>>, vector<16xf32>,
    %max3A_515 = arith.maximumf %get3A_508, %get3A_514 : vector<16xf32>
    %get3A_516 = arith.constant 1 : i32
    %get3A_517 = arith.constant 2 : i32
    %get3A_518 = arith.index_cast %get3A_516 : i32 to index
    %get3A_519 = arith.index_cast %get3A_517 : i32 to index
    %get3A_520 = arith.constant 0 : index
    %get3A_521 = tpu.vector_load %arg5[%get3A_518, %get3A_519, %get3A_520] {strides = array<i32>} : memref<2x16x2048xf32, #tpu.memory_space<vmem>>, vector<16xf32>,
    %get3A_522 = arith.constant 1 : i32
    %get3A_523 = arith.constant 2 : i32
    %get3A_524 = arith.index_cast %get3A_522 : i32 to index
    %get3A_525 = arith.index_cast %get3A_523 : i32 to index
    %get3A_526 = arith.constant 16 : index
    %get3A_527 = tpu.vector_load %arg5[%get3A_524, %get3A_525, %get3A_526] {strides = array<i32>} : memref<2x16x2048xf32, #tpu.memory_space<vmem>>, vector<16xf32>,
    %max3A_528 = arith.maximumf %get3A_521, %get3A_527 : vector<16xf32>
    %get3A_529 = arith.constant 1 : i32
    %get3A_530 = arith.constant 3 : i32
    %get3A_531 = arith.index_cast %get3A_529 : i32 to index
    %get3A_532 = arith.index_cast %get3A_530 : i32 to index
    %get3A_533 = arith.constant 0 : index
    %get3A_534 = tpu.vector_load %arg5[%get3A_531, %get3A_532, %get3A_533] {strides = array<i32>} : memref<2x16x2048xf32, #tpu.memory_space<vmem>>, vector<16xf32>,
    %get3A_535 = arith.constant 1 : i32
    %get3A_536 = arith.constant 3 : i32
    %get3A_537 = arith.index_cast %get3A_535 : i32 to index
    %get3A_538 = arith.index_cast %get3A_536 : i32 to index
    %get3A_539 = arith.constant 16 : index
    %get3A_540 = tpu.vector_load %arg5[%get3A_537, %get3A_538, %get3A_539] {strides = array<i32>} : memref<2x16x2048xf32, #tpu.memory_space<vmem>>, vector<16xf32>,
    %max3A_541 = arith.maximumf %get3A_534, %get3A_540 : vector<16xf32>
    %get3A_542 = arith.constant 1 : i32
    %get3A_543 = arith.constant 4 : i32
    %get3A_544 = arith.index_cast %get3A_542 : i32 to index
    %get3A_545 = arith.index_cast %get3A_543 : i32 to index
    %get3A_546 = arith.constant 0 : index
    %get3A_547 = tpu.vector_load %arg5[%get3A_544, %get3A_545, %get3A_546] {strides = array<i32>} : memref<2x16x2048xf32, #tpu.memory_space<vmem>>, vector<16xf32>,
    %get3A_548 = arith.constant 1 : i32
    %get3A_549 = arith.constant 4 : i32
    %get3A_550 = arith.index_cast %get3A_548 : i32 to index
    %get3A_551 = arith.index_cast %get3A_549 : i32 to index
    %get3A_552 = arith.constant 16 : index
    %get3A_553 = tpu.vector_load %arg5[%get3A_550, %get3A_551, %get3A_552] {strides = array<i32>} : memref<2x16x2048xf32, #tpu.memory_space<vmem>>, vector<16xf32>,
    %max3A_554 = arith.maximumf %get3A_547, %get3A_553 : vector<16xf32>
    %get3A_555 = arith.constant 1 : i32
    %get3A_556 = arith.constant 5 : i32
    %get3A_557 = arith.index_cast %get3A_555 : i32 to index
    %get3A_558 = arith.index_cast %get3A_556 : i32 to index
    %get3A_559 = arith.constant 0 : index
    %get3A_560 = tpu.vector_load %arg5[%get3A_557, %get3A_558, %get3A_559] {strides = array<i32>} : memref<2x16x2048xf32, #tpu.memory_space<vmem>>, vector<16xf32>,
    %get3A_561 = arith.constant 1 : i32
    %get3A_562 = arith.constant 5 : i32
    %get3A_563 = arith.index_cast %get3A_561 : i32 to index
    %get3A_564 = arith.index_cast %get3A_562 : i32 to index
    %get3A_565 = arith.constant 16 : index
    %get3A_566 = tpu.vector_load %arg5[%get3A_563, %get3A_564, %get3A_565] {strides = array<i32>} : memref<2x16x2048xf32, #tpu.memory_space<vmem>>, vector<16xf32>,
    %max3A_567 = arith.maximumf %get3A_560, %get3A_566 : vector<16xf32>
    %get3A_568 = arith.constant 1 : i32
    %get3A_569 = arith.constant 6 : i32
    %get3A_570 = arith.index_cast %get3A_568 : i32 to index
    %get3A_571 = arith.index_cast %get3A_569 : i32 to index
    %get3A_572 = arith.constant 0 : index
    %get3A_573 = tpu.vector_load %arg5[%get3A_570, %get3A_571, %get3A_572] {strides = array<i32>} : memref<2x16x2048xf32, #tpu.memory_space<vmem>>, vector<16xf32>,
    %get3A_574 = arith.constant 1 : i32
    %get3A_575 = arith.constant 6 : i32
    %get3A_576 = arith.index_cast %get3A_574 : i32 to index
    %get3A_577 = arith.index_cast %get3A_575 : i32 to index
    %get3A_578 = arith.constant 16 : index
    %get3A_579 = tpu.vector_load %arg5[%get3A_576, %get3A_577, %get3A_578] {strides = array<i32>} : memref<2x16x2048xf32, #tpu.memory_space<vmem>>, vector<16xf32>,
    %max3A_580 = arith.maximumf %get3A_573, %get3A_579 : vector<16xf32>
    %get3A_581 = arith.constant 1 : i32
    %get3A_582 = arith.constant 7 : i32
    %get3A_583 = arith.index_cast %get3A_581 : i32 to index
    %get3A_584 = arith.index_cast %get3A_582 : i32 to index
    %get3A_585 = arith.constant 0 : index
    %get3A_586 = tpu.vector_load %arg5[%get3A_583, %get3A_584, %get3A_585] {strides = array<i32>} : memref<2x16x2048xf32, #tpu.memory_space<vmem>>, vector<16xf32>,
    %get3A_587 = arith.constant 1 : i32
    %get3A_588 = arith.constant 7 : i32
    %get3A_589 = arith.index_cast %get3A_587 : i32 to index
    %get3A_590 = arith.index_cast %get3A_588 : i32 to index
    %get3A_591 = arith.constant 16 : index
    %get3A_592 = tpu.vector_load %arg5[%get3A_589, %get3A_590, %get3A_591] {strides = array<i32>} : memref<2x16x2048xf32, #tpu.memory_space<vmem>>, vector<16xf32>,
    %max3A_593 = arith.maximumf %get3A_586, %get3A_592 : vector<16xf32>
    %get3A_594 = arith.constant 1 : i32
    %get3A_595 = arith.constant 8 : i32
    %get3A_596 = arith.index_cast %get3A_594 : i32 to index
    %get3A_597 = arith.index_cast %get3A_595 : i32 to index
    %get3A_598 = arith.constant 0 : index
    %get3A_599 = tpu.vector_load %arg5[%get3A_596, %get3A_597, %get3A_598] {strides = array<i32>} : memref<2x16x2048xf32, #tpu.memory_space<vmem>>, vector<16xf32>,
    %get3A_600 = arith.constant 1 : i32
    %get3A_601 = arith.constant 8 : i32
    %get3A_602 = arith.index_cast %get3A_600 : i32 to index
    %get3A_603 = arith.index_cast %get3A_601 : i32 to index
    %get3A_604 = arith.constant 16 : index
    %get3A_605 = tpu.vector_load %arg5[%get3A_602, %get3A_603, %get3A_604] {strides = array<i32>} : memref<2x16x2048xf32, #tpu.memory_space<vmem>>, vector<16xf32>,
    %max3A_606 = arith.maximumf %get3A_599, %get3A_605 : vector<16xf32>
    %get3A_607 = arith.constant 1 : i32
    %get3A_608 = arith.constant 9 : i32
    %get3A_609 = arith.index_cast %get3A_607 : i32 to index
    %get3A_610 = arith.index_cast %get3A_608 : i32 to index
    %get3A_611 = arith.constant 0 : index
    %get3A_612 = tpu.vector_load %arg5[%get3A_609, %get3A_610, %get3A_611] {strides = array<i32>} : memref<2x16x2048xf32, #tpu.memory_space<vmem>>, vector<16xf32>,
    %get3A_613 = arith.constant 1 : i32
    %get3A_614 = arith.constant 9 : i32
    %get3A_615 = arith.index_cast %get3A_613 : i32 to index
    %get3A_616 = arith.index_cast %get3A_614 : i32 to index
    %get3A_617 = arith.constant 16 : index
    %get3A_618 = tpu.vector_load %arg5[%get3A_615, %get3A_616, %get3A_617] {strides = array<i32>} : memref<2x16x2048xf32, #tpu.memory_space<vmem>>, vector<16xf32>,
    %max3A_619 = arith.maximumf %get3A_612, %get3A_618 : vector<16xf32>
    %get3A_620 = arith.constant 1 : i32
    %get3A_621 = arith.constant 10 : i32
    %get3A_622 = arith.index_cast %get3A_620 : i32 to index
    %get3A_623 = arith.index_cast %get3A_621 : i32 to index
    %get3A_624 = arith.constant 0 : index
    %get3A_625 = tpu.vector_load %arg5[%get3A_622, %get3A_623, %get3A_624] {strides = array<i32>} : memref<2x16x2048xf32, #tpu.memory_space<vmem>>, vector<16xf32>,
    %get3A_626 = arith.constant 1 : i32
    %get3A_627 = arith.constant 10 : i32
    %get3A_628 = arith.index_cast %get3A_626 : i32 to index
    %get3A_629 = arith.index_cast %get3A_627 : i32 to index
    %get3A_630 = arith.constant 16 : index
    %get3A_631 = tpu.vector_load %arg5[%get3A_628, %get3A_629, %get3A_630] {strides = array<i32>} : memref<2x16x2048xf32, #tpu.memory_space<vmem>>, vector<16xf32>,
    %max3A_632 = arith.maximumf %get3A_625, %get3A_631 : vector<16xf32>
    %get3A_633 = arith.constant 1 : i32
    %get3A_634 = arith.constant 11 : i32
    %get3A_635 = arith.index_cast %get3A_633 : i32 to index
    %get3A_636 = arith.index_cast %get3A_634 : i32 to index
    %get3A_637 = arith.constant 0 : index
    %get3A_638 = tpu.vector_load %arg5[%get3A_635, %get3A_636, %get3A_637] {strides = array<i32>} : memref<2x16x2048xf32, #tpu.memory_space<vmem>>, vector<16xf32>,
    %get3A_639 = arith.constant 1 : i32
    %get3A_640 = arith.constant 11 : i32
    %get3A_641 = arith.index_cast %get3A_639 : i32 to index
    %get3A_642 = arith.index_cast %get3A_640 : i32 to index
    %get3A_643 = arith.constant 16 : index
    %get3A_644 = tpu.vector_load %arg5[%get3A_641, %get3A_642, %get3A_643] {strides = array<i32>} : memref<2x16x2048xf32, #tpu.memory_space<vmem>>, vector<16xf32>,
    %max3A_645 = arith.maximumf %get3A_638, %get3A_644 : vector<16xf32>
    %get3A_646 = arith.constant 1 : i32
    %get3A_647 = arith.constant 12 : i32
    %get3A_648 = arith.index_cast %get3A_646 : i32 to index
    %get3A_649 = arith.index_cast %get3A_647 : i32 to index
    %get3A_650 = arith.constant 0 : index
    %get3A_651 = tpu.vector_load %arg5[%get3A_648, %get3A_649, %get3A_650] {strides = array<i32>} : memref<2x16x2048xf32, #tpu.memory_space<vmem>>, vector<16xf32>,
    %get3A_652 = arith.constant 1 : i32
    %get3A_653 = arith.constant 12 : i32
    %get3A_654 = arith.index_cast %get3A_652 : i32 to index
    %get3A_655 = arith.index_cast %get3A_653 : i32 to index
    %get3A_656 = arith.constant 16 : index
    %get3A_657 = tpu.vector_load %arg5[%get3A_654, %get3A_655, %get3A_656] {strides = array<i32>} : memref<2x16x2048xf32, #tpu.memory_space<vmem>>, vector<16xf32>,
    %max3A_658 = arith.maximumf %get3A_651, %get3A_657 : vector<16xf32>
    %get3A_659 = arith.constant 1 : i32
    %get3A_660 = arith.constant 13 : i32
    %get3A_661 = arith.index_cast %get3A_659 : i32 to index
    %get3A_662 = arith.index_cast %get3A_660 : i32 to index
    %get3A_663 = arith.constant 0 : index
    %get3A_664 = tpu.vector_load %arg5[%get3A_661, %get3A_662, %get3A_663] {strides = array<i32>} : memref<2x16x2048xf32, #tpu.memory_space<vmem>>, vector<16xf32>,
    %get3A_665 = arith.constant 1 : i32
    %get3A_666 = arith.constant 13 : i32
    %get3A_667 = arith.index_cast %get3A_665 : i32 to index
    %get3A_668 = arith.index_cast %get3A_666 : i32 to index
    %get3A_669 = arith.constant 16 : index
    %get3A_670 = tpu.vector_load %arg5[%get3A_667, %get3A_668, %get3A_669] {strides = array<i32>} : memref<2x16x2048xf32, #tpu.memory_space<vmem>>, vector<16xf32>,
    %max3A_671 = arith.maximumf %get3A_664, %get3A_670 : vector<16xf32>
    %get3A_672 = arith.constant 1 : i32
    %get3A_673 = arith.constant 14 : i32
    %get3A_674 = arith.index_cast %get3A_672 : i32 to index
    %get3A_675 = arith.index_cast %get3A_673 : i32 to index
    %get3A_676 = arith.constant 0 : index
    %get3A_677 = tpu.vector_load %arg5[%get3A_674, %get3A_675, %get3A_676] {strides = array<i32>} : memref<2x16x2048xf32, #tpu.memory_space<vmem>>, vector<16xf32>,
    %get3A_678 = arith.constant 1 : i32
    %get3A_679 = arith.constant 14 : i32
    %get3A_680 = arith.index_cast %get3A_678 : i32 to index
    %get3A_681 = arith.index_cast %get3A_679 : i32 to index
    %get3A_682 = arith.constant 16 : index
    %get3A_683 = tpu.vector_load %arg5[%get3A_680, %get3A_681, %get3A_682] {strides = array<i32>} : memref<2x16x2048xf32, #tpu.memory_space<vmem>>, vector<16xf32>,
    %max3A_684 = arith.maximumf %get3A_677, %get3A_683 : vector<16xf32>
    %get3A_685 = arith.constant 1 : i32
    %get3A_686 = arith.constant 15 : i32
    %get3A_687 = arith.index_cast %get3A_685 : i32 to index
    %get3A_688 = arith.index_cast %get3A_686 : i32 to index
    %get3A_689 = arith.constant 0 : index
    %get3A_690 = tpu.vector_load %arg5[%get3A_687, %get3A_688, %get3A_689] {strides = array<i32>} : memref<2x16x2048xf32, #tpu.memory_space<vmem>>, vector<16xf32>,
    %get3A_691 = arith.constant 1 : i32
    %get3A_692 = arith.constant 15 : i32
    %get3A_693 = arith.index_cast %get3A_691 : i32 to index
    %get3A_694 = arith.index_cast %get3A_692 : i32 to index
    %get3A_695 = arith.constant 16 : index
    %get3A_696 = tpu.vector_load %arg5[%get3A_693, %get3A_694, %get3A_695] {strides = array<i32>} : memref<2x16x2048xf32, #tpu.memory_space<vmem>>, vector<16xf32>,
    %max3A_697 = arith.maximumf %get3A_690, %get3A_696 : vector<16xf32>
    %scan3A_698 = arith.constant 1 : i32
    %scan3A_699 = arith.constant 63 : i32
    %scan3A_700 = arith.addi %scan3A_698, %scan3A_699 : i32
    %scan3A_701 = arith.constant 1 : i32
    %scan3A_702:16 = scf.for %scan3A_930 = %scan3A_698 to %scan3A_700 step %scan3A_701 iter_args(%scan3A_931 = %max3A_502, %scan3A_932 = %max3A_515, %scan3A_933 = %max3A_528, %scan3A_934 = %max3A_541, %scan3A_935 = %max3A_554, %scan3A_936 = %max3A_567, %scan3A_937 = %max3A_580, %scan3A_938 = %max3A_593, %scan3A_939 = %max3A_606, %scan3A_940 = %max3A_619, %scan3A_941 = %max3A_632, %scan3A_942 = %max3A_645, %scan3A_943 = %max3A_658, %scan3A_944 = %max3A_671, %scan3A_945 = %max3A_684, %scan3A_946 = %max3A_697) -> (vector<16xf32>, vector<16xf32>, vector<16xf32>, vector<16xf32>, vector<16xf32>, vector<16xf32>, vector<16xf32>, vector<16xf32>, vector<16xf32>, vector<16xf32>, vector<16xf32>, vector<16xf32>, vector<16xf32>, vector<16xf32>, vector<16xf32>, vector<16xf32>)  : i32 {
      %mul3A_947 = arith.constant 32 : i32
      %mul3A_948 = arith.muli %scan3A_930, %mul3A_947 : i32
      %get3A_949 = arith.constant 1 : i32
      %get3A_950 = arith.constant 0 : i32
      %get3A_951 = arith.index_cast %get3A_949 : i32 to index
      %get3A_952 = arith.index_cast %get3A_950 : i32 to index
      %get3A_953 = arith.index_cast %mul3A_948 : i32 to index
      %get3A_954 = tpu.vector_load %arg5[%get3A_951, %get3A_952, %get3A_953] {strides = array<i32>} : memref<2x16x2048xf32, #tpu.memory_space<vmem>>, vector<16xf32>,
      %max3A_955 = arith.maximumf %scan3A_931, %get3A_954 : vector<16xf32>
      %get3A_956 = arith.constant 1 : i32
      %get3A_957 = arith.constant 1 : i32
      %get3A_958 = arith.index_cast %get3A_956 : i32 to index
      %get3A_959 = arith.index_cast %get3A_957 : i32 to index
      %get3A_960 = arith.index_cast %mul3A_948 : i32 to index
      %get3A_961 = tpu.vector_load %arg5[%get3A_958, %get3A_959, %get3A_960] {strides = array<i32>} : memref<2x16x2048xf32, #tpu.memory_space<vmem>>, vector<16xf32>,
      %max3A_962 = arith.maximumf %scan3A_932, %get3A_961 : vector<16xf32>
      %get3A_963 = arith.constant 1 : i32
      %get3A_964 = arith.constant 2 : i32
      %get3A_965 = arith.index_cast %get3A_963 : i32 to index
      %get3A_966 = arith.index_cast %get3A_964 : i32 to index
      %get3A_967 = arith.index_cast %mul3A_948 : i32 to index
      %get3A_968 = tpu.vector_load %arg5[%get3A_965, %get3A_966, %get3A_967] {strides = array<i32>} : memref<2x16x2048xf32, #tpu.memory_space<vmem>>, vector<16xf32>,
      %max3A_969 = arith.maximumf %scan3A_933, %get3A_968 : vector<16xf32>
      %get3A_970 = arith.constant 1 : i32
      %get3A_971 = arith.constant 3 : i32
      %get3A_972 = arith.index_cast %get3A_970 : i32 to index
      %get3A_973 = arith.index_cast %get3A_971 : i32 to index
      %get3A_974 = arith.index_cast %mul3A_948 : i32 to index
      %get3A_975 = tpu.vector_load %arg5[%get3A_972, %get3A_973, %get3A_974] {strides = array<i32>} : memref<2x16x2048xf32, #tpu.memory_space<vmem>>, vector<16xf32>,
      %max3A_976 = arith.maximumf %scan3A_934, %get3A_975 : vector<16xf32>
      %get3A_977 = arith.constant 1 : i32
      %get3A_978 = arith.constant 4 : i32
      %get3A_979 = arith.index_cast %get3A_977 : i32 to index
      %get3A_980 = arith.index_cast %get3A_978 : i32 to index
      %get3A_981 = arith.index_cast %mul3A_948 : i32 to index
      %get3A_982 = tpu.vector_load %arg5[%get3A_979, %get3A_980, %get3A_981] {strides = array<i32>} : memref<2x16x2048xf32, #tpu.memory_space<vmem>>, vector<16xf32>,
      %max3A_983 = arith.maximumf %scan3A_935, %get3A_982 : vector<16xf32>
      %get3A_984 = arith.constant 1 : i32
      %get3A_985 = arith.constant 5 : i32
      %get3A_986 = arith.index_cast %get3A_984 : i32 to index
      %get3A_987 = arith.index_cast %get3A_985 : i32 to index
      %get3A_988 = arith.index_cast %mul3A_948 : i32 to index
      %get3A_989 = tpu.vector_load %arg5[%get3A_986, %get3A_987, %get3A_988] {strides = array<i32>} : memref<2x16x2048xf32, #tpu.memory_space<vmem>>, vector<16xf32>,
      %max3A_990 = arith.maximumf %scan3A_936, %get3A_989 : vector<16xf32>
      %get3A_991 = arith.constant 1 : i32
      %get3A_992 = arith.constant 6 : i32
      %get3A_993 = arith.index_cast %get3A_991 : i32 to index
      %get3A_994 = arith.index_cast %get3A_992 : i32 to index
      %get3A_995 = arith.index_cast %mul3A_948 : i32 to index
      %get3A_996 = tpu.vector_load %arg5[%get3A_993, %get3A_994, %get3A_995] {strides = array<i32>} : memref<2x16x2048xf32, #tpu.memory_space<vmem>>, vector<16xf32>,
      %max3A_997 = arith.maximumf %scan3A_937, %get3A_996 : vector<16xf32>
      %get3A_998 = arith.constant 1 : i32
      %get3A_999 = arith.constant 7 : i32
      %get3A_1000 = arith.index_cast %get3A_998 : i32 to index
      %get3A_1001 = arith.index_cast %get3A_999 : i32 to index
      %get3A_1002 = arith.index_cast %mul3A_948 : i32 to index
      %get3A_1003 = tpu.vector_load %arg5[%get3A_1000, %get3A_1001, %get3A_1002] {strides = array<i32>} : memref<2x16x2048xf32, #tpu.memory_space<vmem>>, vector<16xf32>,
      %max3A_1004 = arith.maximumf %scan3A_938, %get3A_1003 : vector<16xf32>
      %get3A_1005 = arith.constant 1 : i32
      %get3A_1006 = arith.constant 8 : i32
      %get3A_1007 = arith.index_cast %get3A_1005 : i32 to index
      %get3A_1008 = arith.index_cast %get3A_1006 : i32 to index
      %get3A_1009 = arith.index_cast %mul3A_948 : i32 to index
      %get3A_1010 = tpu.vector_load %arg5[%get3A_1007, %get3A_1008, %get3A_1009] {strides = array<i32>} : memref<2x16x2048xf32, #tpu.memory_space<vmem>>, vector<16xf32>,
      %max3A_1011 = arith.maximumf %scan3A_939, %get3A_1010 : vector<16xf32>
      %get3A_1012 = arith.constant 1 : i32
      %get3A_1013 = arith.constant 9 : i32
      %get3A_1014 = arith.index_cast %get3A_1012 : i32 to index
      %get3A_1015 = arith.index_cast %get3A_1013 : i32 to index
      %get3A_1016 = arith.index_cast %mul3A_948 : i32 to index
      %get3A_1017 = tpu.vector_load %arg5[%get3A_1014, %get3A_1015, %get3A_1016] {strides = array<i32>} : memref<2x16x2048xf32, #tpu.memory_space<vmem>>, vector<16xf32>,
      %max3A_1018 = arith.maximumf %scan3A_940, %get3A_1017 : vector<16xf32>
      %get3A_1019 = arith.constant 1 : i32
      %get3A_1020 = arith.constant 10 : i32
      %get3A_1021 = arith.index_cast %get3A_1019 : i32 to index
      %get3A_1022 = arith.index_cast %get3A_1020 : i32 to index
      %get3A_1023 = arith.index_cast %mul3A_948 : i32 to index
      %get3A_1024 = tpu.vector_load %arg5[%get3A_1021, %get3A_1022, %get3A_1023] {strides = array<i32>} : memref<2x16x2048xf32, #tpu.memory_space<vmem>>, vector<16xf32>,
      %max3A_1025 = arith.maximumf %scan3A_941, %get3A_1024 : vector<16xf32>
      %get3A_1026 = arith.constant 1 : i32
      %get3A_1027 = arith.constant 11 : i32
      %get3A_1028 = arith.index_cast %get3A_1026 : i32 to index
      %get3A_1029 = arith.index_cast %get3A_1027 : i32 to index
      %get3A_1030 = arith.index_cast %mul3A_948 : i32 to index
      %get3A_1031 = tpu.vector_load %arg5[%get3A_1028, %get3A_1029, %get3A_1030] {strides = array<i32>} : memref<2x16x2048xf32, #tpu.memory_space<vmem>>, vector<16xf32>,
      %max3A_1032 = arith.maximumf %scan3A_942, %get3A_1031 : vector<16xf32>
      %get3A_1033 = arith.constant 1 : i32
      %get3A_1034 = arith.constant 12 : i32
      %get3A_1035 = arith.index_cast %get3A_1033 : i32 to index
      %get3A_1036 = arith.index_cast %get3A_1034 : i32 to index
      %get3A_1037 = arith.index_cast %mul3A_948 : i32 to index
      %get3A_1038 = tpu.vector_load %arg5[%get3A_1035, %get3A_1036, %get3A_1037] {strides = array<i32>} : memref<2x16x2048xf32, #tpu.memory_space<vmem>>, vector<16xf32>,
      %max3A_1039 = arith.maximumf %scan3A_943, %get3A_1038 : vector<16xf32>
      %get3A_1040 = arith.constant 1 : i32
      %get3A_1041 = arith.constant 13 : i32
      %get3A_1042 = arith.index_cast %get3A_1040 : i32 to index
      %get3A_1043 = arith.index_cast %get3A_1041 : i32 to index
      %get3A_1044 = arith.index_cast %mul3A_948 : i32 to index
      %get3A_1045 = tpu.vector_load %arg5[%get3A_1042, %get3A_1043, %get3A_1044] {strides = array<i32>} : memref<2x16x2048xf32, #tpu.memory_space<vmem>>, vector<16xf32>,
      %max3A_1046 = arith.maximumf %scan3A_944, %get3A_1045 : vector<16xf32>
      %get3A_1047 = arith.constant 1 : i32
      %get3A_1048 = arith.constant 14 : i32
      %get3A_1049 = arith.index_cast %get3A_1047 : i32 to index
      %get3A_1050 = arith.index_cast %get3A_1048 : i32 to index
      %get3A_1051 = arith.index_cast %mul3A_948 : i32 to index
      %get3A_1052 = tpu.vector_load %arg5[%get3A_1049, %get3A_1050, %get3A_1051] {strides = array<i32>} : memref<2x16x2048xf32, #tpu.memory_space<vmem>>, vector<16xf32>,
      %max3A_1053 = arith.maximumf %scan3A_945, %get3A_1052 : vector<16xf32>
      %get3A_1054 = arith.constant 1 : i32
      %get3A_1055 = arith.constant 15 : i32
      %get3A_1056 = arith.index_cast %get3A_1054 : i32 to index
      %get3A_1057 = arith.index_cast %get3A_1055 : i32 to index
      %get3A_1058 = arith.index_cast %mul3A_948 : i32 to index
      %get3A_1059 = tpu.vector_load %arg5[%get3A_1056, %get3A_1057, %get3A_1058] {strides = array<i32>} : memref<2x16x2048xf32, #tpu.memory_space<vmem>>, vector<16xf32>,
      %max3A_1060 = arith.maximumf %scan3A_946, %get3A_1059 : vector<16xf32>
      %add3A_1061 = arith.constant 16 : i32
      %add3A_1062 = arith.addi %mul3A_948, %add3A_1061 : i32
      %get3A_1063 = arith.constant 1 : i32
      %get3A_1064 = arith.constant 0 : i32
      %get3A_1065 = arith.index_cast %get3A_1063 : i32 to index
      %get3A_1066 = arith.index_cast %get3A_1064 : i32 to index
      %get3A_1067 = arith.index_cast %add3A_1062 : i32 to index
      %get3A_1068 = tpu.vector_load %arg5[%get3A_1065, %get3A_1066, %get3A_1067] {strides = array<i32>} : memref<2x16x2048xf32, #tpu.memory_space<vmem>>, vector<16xf32>,
      %max3A_1069 = arith.maximumf %max3A_955, %get3A_1068 : vector<16xf32>
      %add3A_1070 = arith.constant 16 : i32
      %add3A_1071 = arith.addi %mul3A_948, %add3A_1070 : i32
      %get3A_1072 = arith.constant 1 : i32
      %get3A_1073 = arith.constant 1 : i32
      %get3A_1074 = arith.index_cast %get3A_1072 : i32 to index
      %get3A_1075 = arith.index_cast %get3A_1073 : i32 to index
      %get3A_1076 = arith.index_cast %add3A_1071 : i32 to index
      %get3A_1077 = tpu.vector_load %arg5[%get3A_1074, %get3A_1075, %get3A_1076] {strides = array<i32>} : memref<2x16x2048xf32, #tpu.memory_space<vmem>>, vector<16xf32>,
      %max3A_1078 = arith.maximumf %max3A_962, %get3A_1077 : vector<16xf32>
      %add3A_1079 = arith.constant 16 : i32
      %add3A_1080 = arith.addi %mul3A_948, %add3A_1079 : i32
      %get3A_1081 = arith.constant 1 : i32
      %get3A_1082 = arith.constant 2 : i32
      %get3A_1083 = arith.index_cast %get3A_1081 : i32 to index
      %get3A_1084 = arith.index_cast %get3A_1082 : i32 to index
      %get3A_1085 = arith.index_cast %add3A_1080 : i32 to index
      %get3A_1086 = tpu.vector_load %arg5[%get3A_1083, %get3A_1084, %get3A_1085] {strides = array<i32>} : memref<2x16x2048xf32, #tpu.memory_space<vmem>>, vector<16xf32>,
      %max3A_1087 = arith.maximumf %max3A_969, %get3A_1086 : vector<16xf32>
      %add3A_1088 = arith.constant 16 : i32
      %add3A_1089 = arith.addi %mul3A_948, %add3A_1088 : i32
      %get3A_1090 = arith.constant 1 : i32
      %get3A_1091 = arith.constant 3 : i32
      %get3A_1092 = arith.index_cast %get3A_1090 : i32 to index
      %get3A_1093 = arith.index_cast %get3A_1091 : i32 to index
      %get3A_1094 = arith.index_cast %add3A_1089 : i32 to index
      %get3A_1095 = tpu.vector_load %arg5[%get3A_1092, %get3A_1093, %get3A_1094] {strides = array<i32>} : memref<2x16x2048xf32, #tpu.memory_space<vmem>>, vector<16xf32>,
      %max3A_1096 = arith.maximumf %max3A_976, %get3A_1095 : vector<16xf32>
      %add3A_1097 = arith.constant 16 : i32
      %add3A_1098 = arith.addi %mul3A_948, %add3A_1097 : i32
      %get3A_1099 = arith.constant 1 : i32
      %get3A_1100 = arith.constant 4 : i32
      %get3A_1101 = arith.index_cast %get3A_1099 : i32 to index
      %get3A_1102 = arith.index_cast %get3A_1100 : i32 to index
      %get3A_1103 = arith.index_cast %add3A_1098 : i32 to index
      %get3A_1104 = tpu.vector_load %arg5[%get3A_1101, %get3A_1102, %get3A_1103] {strides = array<i32>} : memref<2x16x2048xf32, #tpu.memory_space<vmem>>, vector<16xf32>,
      %max3A_1105 = arith.maximumf %max3A_983, %get3A_1104 : vector<16xf32>
      %add3A_1106 = arith.constant 16 : i32
      %add3A_1107 = arith.addi %mul3A_948, %add3A_1106 : i32
      %get3A_1108 = arith.constant 1 : i32
      %get3A_1109 = arith.constant 5 : i32
      %get3A_1110 = arith.index_cast %get3A_1108 : i32 to index
      %get3A_1111 = arith.index_cast %get3A_1109 : i32 to index
      %get3A_1112 = arith.index_cast %add3A_1107 : i32 to index
      %get3A_1113 = tpu.vector_load %arg5[%get3A_1110, %get3A_1111, %get3A_1112] {strides = array<i32>} : memref<2x16x2048xf32, #tpu.memory_space<vmem>>, vector<16xf32>,
      %max3A_1114 = arith.maximumf %max3A_990, %get3A_1113 : vector<16xf32>
      %add3A_1115 = arith.constant 16 : i32
      %add3A_1116 = arith.addi %mul3A_948, %add3A_1115 : i32
      %get3A_1117 = arith.constant 1 : i32
      %get3A_1118 = arith.constant 6 : i32
      %get3A_1119 = arith.index_cast %get3A_1117 : i32 to index
      %get3A_1120 = arith.index_cast %get3A_1118 : i32 to index
      %get3A_1121 = arith.index_cast %add3A_1116 : i32 to index
      %get3A_1122 = tpu.vector_load %arg5[%get3A_1119, %get3A_1120, %get3A_1121] {strides = array<i32>} : memref<2x16x2048xf32, #tpu.memory_space<vmem>>, vector<16xf32>,
      %max3A_1123 = arith.maximumf %max3A_997, %get3A_1122 : vector<16xf32>
      %add3A_1124 = arith.constant 16 : i32
      %add3A_1125 = arith.addi %mul3A_948, %add3A_1124 : i32
      %get3A_1126 = arith.constant 1 : i32
      %get3A_1127 = arith.constant 7 : i32
      %get3A_1128 = arith.index_cast %get3A_1126 : i32 to index
      %get3A_1129 = arith.index_cast %get3A_1127 : i32 to index
      %get3A_1130 = arith.index_cast %add3A_1125 : i32 to index
      %get3A_1131 = tpu.vector_load %arg5[%get3A_1128, %get3A_1129, %get3A_1130] {strides = array<i32>} : memref<2x16x2048xf32, #tpu.memory_space<vmem>>, vector<16xf32>,
      %max3A_1132 = arith.maximumf %max3A_1004, %get3A_1131 : vector<16xf32>
      %add3A_1133 = arith.constant 16 : i32
      %add3A_1134 = arith.addi %mul3A_948, %add3A_1133 : i32
      %get3A_1135 = arith.constant 1 : i32
      %get3A_1136 = arith.constant 8 : i32
      %get3A_1137 = arith.index_cast %get3A_1135 : i32 to index
      %get3A_1138 = arith.index_cast %get3A_1136 : i32 to index
      %get3A_1139 = arith.index_cast %add3A_1134 : i32 to index
      %get3A_1140 = tpu.vector_load %arg5[%get3A_1137, %get3A_1138, %get3A_1139] {strides = array<i32>} : memref<2x16x2048xf32, #tpu.memory_space<vmem>>, vector<16xf32>,
      %max3A_1141 = arith.maximumf %max3A_1011, %get3A_1140 : vector<16xf32>
      %add3A_1142 = arith.constant 16 : i32
      %add3A_1143 = arith.addi %mul3A_948, %add3A_1142 : i32
      %get3A_1144 = arith.constant 1 : i32
      %get3A_1145 = arith.constant 9 : i32
      %get3A_1146 = arith.index_cast %get3A_1144 : i32 to index
      %get3A_1147 = arith.index_cast %get3A_1145 : i32 to index
      %get3A_1148 = arith.index_cast %add3A_1143 : i32 to index
      %get3A_1149 = tpu.vector_load %arg5[%get3A_1146, %get3A_1147, %get3A_1148] {strides = array<i32>} : memref<2x16x2048xf32, #tpu.memory_space<vmem>>, vector<16xf32>,
      %max3A_1150 = arith.maximumf %max3A_1018, %get3A_1149 : vector<16xf32>
      %add3A_1151 = arith.constant 16 : i32
      %add3A_1152 = arith.addi %mul3A_948, %add3A_1151 : i32
      %get3A_1153 = arith.constant 1 : i32
      %get3A_1154 = arith.constant 10 : i32
      %get3A_1155 = arith.index_cast %get3A_1153 : i32 to index
      %get3A_1156 = arith.index_cast %get3A_1154 : i32 to index
      %get3A_1157 = arith.index_cast %add3A_1152 : i32 to index
      %get3A_1158 = tpu.vector_load %arg5[%get3A_1155, %get3A_1156, %get3A_1157] {strides = array<i32>} : memref<2x16x2048xf32, #tpu.memory_space<vmem>>, vector<16xf32>,
      %max3A_1159 = arith.maximumf %max3A_1025, %get3A_1158 : vector<16xf32>
      %add3A_1160 = arith.constant 16 : i32
      %add3A_1161 = arith.addi %mul3A_948, %add3A_1160 : i32
      %get3A_1162 = arith.constant 1 : i32
      %get3A_1163 = arith.constant 11 : i32
      %get3A_1164 = arith.index_cast %get3A_1162 : i32 to index
      %get3A_1165 = arith.index_cast %get3A_1163 : i32 to index
      %get3A_1166 = arith.index_cast %add3A_1161 : i32 to index
      %get3A_1167 = tpu.vector_load %arg5[%get3A_1164, %get3A_1165, %get3A_1166] {strides = array<i32>} : memref<2x16x2048xf32, #tpu.memory_space<vmem>>, vector<16xf32>,
      %max3A_1168 = arith.maximumf %max3A_1032, %get3A_1167 : vector<16xf32>
      %add3A_1169 = arith.constant 16 : i32
      %add3A_1170 = arith.addi %mul3A_948, %add3A_1169 : i32
      %get3A_1171 = arith.constant 1 : i32
      %get3A_1172 = arith.constant 12 : i32
      %get3A_1173 = arith.index_cast %get3A_1171 : i32 to index
      %get3A_1174 = arith.index_cast %get3A_1172 : i32 to index
      %get3A_1175 = arith.index_cast %add3A_1170 : i32 to index
      %get3A_1176 = tpu.vector_load %arg5[%get3A_1173, %get3A_1174, %get3A_1175] {strides = array<i32>} : memref<2x16x2048xf32, #tpu.memory_space<vmem>>, vector<16xf32>,
      %max3A_1177 = arith.maximumf %max3A_1039, %get3A_1176 : vector<16xf32>
      %add3A_1178 = arith.constant 16 : i32
      %add3A_1179 = arith.addi %mul3A_948, %add3A_1178 : i32
      %get3A_1180 = arith.constant 1 : i32
      %get3A_1181 = arith.constant 13 : i32
      %get3A_1182 = arith.index_cast %get3A_1180 : i32 to index
      %get3A_1183 = arith.index_cast %get3A_1181 : i32 to index
      %get3A_1184 = arith.index_cast %add3A_1179 : i32 to index
      %get3A_1185 = tpu.vector_load %arg5[%get3A_1182, %get3A_1183, %get3A_1184] {strides = array<i32>} : memref<2x16x2048xf32, #tpu.memory_space<vmem>>, vector<16xf32>,
      %max3A_1186 = arith.maximumf %max3A_1046, %get3A_1185 : vector<16xf32>
      %add3A_1187 = arith.constant 16 : i32
      %add3A_1188 = arith.addi %mul3A_948, %add3A_1187 : i32
      %get3A_1189 = arith.constant 1 : i32
      %get3A_1190 = arith.constant 14 : i32
      %get3A_1191 = arith.index_cast %get3A_1189 : i32 to index
      %get3A_1192 = arith.index_cast %get3A_1190 : i32 to index
      %get3A_1193 = arith.index_cast %add3A_1188 : i32 to index
      %get3A_1194 = tpu.vector_load %arg5[%get3A_1191, %get3A_1192, %get3A_1193] {strides = array<i32>} : memref<2x16x2048xf32, #tpu.memory_space<vmem>>, vector<16xf32>,
      %max3A_1195 = arith.maximumf %max3A_1053, %get3A_1194 : vector<16xf32>
      %add3A_1196 = arith.constant 16 : i32
      %add3A_1197 = arith.addi %mul3A_948, %add3A_1196 : i32
      %get3A_1198 = arith.constant 1 : i32
      %get3A_1199 = arith.constant 15 : i32
      %get3A_1200 = arith.index_cast %get3A_1198 : i32 to index
      %get3A_1201 = arith.index_cast %get3A_1199 : i32 to index
      %get3A_1202 = arith.index_cast %add3A_1197 : i32 to index
      %get3A_1203 = tpu.vector_load %arg5[%get3A_1200, %get3A_1201, %get3A_1202] {strides = array<i32>} : memref<2x16x2048xf32, #tpu.memory_space<vmem>>, vector<16xf32>,
      %max3A_1204 = arith.maximumf %max3A_1060, %get3A_1203 : vector<16xf32>
      scf.yield %max3A_1069, %max3A_1078, %max3A_1087, %max3A_1096, %max3A_1105, %max3A_1114, %max3A_1123, %max3A_1132, %max3A_1141, %max3A_1150, %max3A_1159, %max3A_1168, %max3A_1177, %max3A_1186, %max3A_1195, %max3A_1204 : vector<16xf32>, vector<16xf32>, vector<16xf32>, vector<16xf32>, vector<16xf32>, vector<16xf32>, vector<16xf32>, vector<16xf32>, vector<16xf32>, vector<16xf32>, vector<16xf32>, vector<16xf32>, vector<16xf32>, vector<16xf32>, vector<16xf32>, vector<16xf32>
    }
    %scan3A_703 = arith.constant 63 : i32
    %broadcast_in_dim3A_704 = arith.constant 0.000000e+00 : f32
    %broadcast_in_dim3A_705 = vector.broadcast %broadcast_in_dim3A_704 : f32 to vector<16xf32>
    %reduce_max3A_706 = arith.constant true
    %reduce_max3A_707 = vector.broadcast %reduce_max3A_706 : i1 to vector<16xi1>
    %reduce_max3A_708 = tpu.scan <max>, %scan3A_702#0 masked %reduce_max3A_707 : vector<16xf32>, vector<16xi1> -> vector<16xf32>
    %reduce_max3A_709 = vector.extract %reduce_max3A_708[15] : f32 from vector<16xf32>
    %eq3A_710 = arith.constant 0 : i32
    %eq3A_711 = vector.broadcast %eq3A_710 : i32 to vector<16xi32>
    %eq3A_712 = arith.cmpi eq, %iota3A, %eq3A_711 : vector<16xi32>
    %broadcast_in_dim3A_713 = vector.broadcast %reduce_max3A_709 : f32 to vector<16xf32>
    %select_n3A_714 = arith.select %eq3A_712, %broadcast_in_dim3A_713, %broadcast_in_dim3A_705 : vector<16xi1>, vector<16xf32>
    %reduce_max3A_715 = arith.constant true
    %reduce_max3A_716 = vector.broadcast %reduce_max3A_715 : i1 to vector<16xi1>
    %reduce_max3A_717 = tpu.scan <max>, %scan3A_702#1 masked %reduce_max3A_716 : vector<16xf32>, vector<16xi1> -> vector<16xf32>
    %reduce_max3A_718 = vector.extract %reduce_max3A_717[15] : f32 from vector<16xf32>
    %eq3A_719 = arith.constant 1 : i32
    %eq3A_720 = vector.broadcast %eq3A_719 : i32 to vector<16xi32>
    %eq3A_721 = arith.cmpi eq, %iota3A, %eq3A_720 : vector<16xi32>
    %broadcast_in_dim3A_722 = vector.broadcast %reduce_max3A_718 : f32 to vector<16xf32>
    %select_n3A_723 = arith.select %eq3A_721, %broadcast_in_dim3A_722, %select_n3A_714 : vector<16xi1>, vector<16xf32>
    %reduce_max3A_724 = arith.constant true
    %reduce_max3A_725 = vector.broadcast %reduce_max3A_724 : i1 to vector<16xi1>
    %reduce_max3A_726 = tpu.scan <max>, %scan3A_702#2 masked %reduce_max3A_725 : vector<16xf32>, vector<16xi1> -> vector<16xf32>
    %reduce_max3A_727 = vector.extract %reduce_max3A_726[15] : f32 from vector<16xf32>
    %eq3A_728 = arith.constant 2 : i32
    %eq3A_729 = vector.broadcast %eq3A_728 : i32 to vector<16xi32>
    %eq3A_730 = arith.cmpi eq, %iota3A, %eq3A_729 : vector<16xi32>
    %broadcast_in_dim3A_731 = vector.broadcast %reduce_max3A_727 : f32 to vector<16xf32>
    %select_n3A_732 = arith.select %eq3A_730, %broadcast_in_dim3A_731, %select_n3A_723 : vector<16xi1>, vector<16xf32>
    %reduce_max3A_733 = arith.constant true
    %reduce_max3A_734 = vector.broadcast %reduce_max3A_733 : i1 to vector<16xi1>
    %reduce_max3A_735 = tpu.scan <max>, %scan3A_702#3 masked %reduce_max3A_734 : vector<16xf32>, vector<16xi1> -> vector<16xf32>
    %reduce_max3A_736 = vector.extract %reduce_max3A_735[15] : f32 from vector<16xf32>
    %eq3A_737 = arith.constant 3 : i32
    %eq3A_738 = vector.broadcast %eq3A_737 : i32 to vector<16xi32>
    %eq3A_739 = arith.cmpi eq, %iota3A, %eq3A_738 : vector<16xi32>
    %broadcast_in_dim3A_740 = vector.broadcast %reduce_max3A_736 : f32 to vector<16xf32>
    %select_n3A_741 = arith.select %eq3A_739, %broadcast_in_dim3A_740, %select_n3A_732 : vector<16xi1>, vector<16xf32>
    %reduce_max3A_742 = arith.constant true
    %reduce_max3A_743 = vector.broadcast %reduce_max3A_742 : i1 to vector<16xi1>
    %reduce_max3A_744 = tpu.scan <max>, %scan3A_702#4 masked %reduce_max3A_743 : vector<16xf32>, vector<16xi1> -> vector<16xf32>
    %reduce_max3A_745 = vector.extract %reduce_max3A_744[15] : f32 from vector<16xf32>
    %eq3A_746 = arith.constant 4 : i32
    %eq3A_747 = vector.broadcast %eq3A_746 : i32 to vector<16xi32>
    %eq3A_748 = arith.cmpi eq, %iota3A, %eq3A_747 : vector<16xi32>
    %broadcast_in_dim3A_749 = vector.broadcast %reduce_max3A_745 : f32 to vector<16xf32>
    %select_n3A_750 = arith.select %eq3A_748, %broadcast_in_dim3A_749, %select_n3A_741 : vector<16xi1>, vector<16xf32>
    %reduce_max3A_751 = arith.constant true
    %reduce_max3A_752 = vector.broadcast %reduce_max3A_751 : i1 to vector<16xi1>
    %reduce_max3A_753 = tpu.scan <max>, %scan3A_702#5 masked %reduce_max3A_752 : vector<16xf32>, vector<16xi1> -> vector<16xf32>
    %reduce_max3A_754 = vector.extract %reduce_max3A_753[15] : f32 from vector<16xf32>
    %eq3A_755 = arith.constant 5 : i32
    %eq3A_756 = vector.broadcast %eq3A_755 : i32 to vector<16xi32>
    %eq3A_757 = arith.cmpi eq, %iota3A, %eq3A_756 : vector<16xi32>
    %broadcast_in_dim3A_758 = vector.broadcast %reduce_max3A_754 : f32 to vector<16xf32>
    %select_n3A_759 = arith.select %eq3A_757, %broadcast_in_dim3A_758, %select_n3A_750 : vector<16xi1>, vector<16xf32>
    %reduce_max3A_760 = arith.constant true
    %reduce_max3A_761 = vector.broadcast %reduce_max3A_760 : i1 to vector<16xi1>
    %reduce_max3A_762 = tpu.scan <max>, %scan3A_702#6 masked %reduce_max3A_761 : vector<16xf32>, vector<16xi1> -> vector<16xf32>
    %reduce_max3A_763 = vector.extract %reduce_max3A_762[15] : f32 from vector<16xf32>
    %eq3A_764 = arith.constant 6 : i32
    %eq3A_765 = vector.broadcast %eq3A_764 : i32 to vector<16xi32>
    %eq3A_766 = arith.cmpi eq, %iota3A, %eq3A_765 : vector<16xi32>
    %broadcast_in_dim3A_767 = vector.broadcast %reduce_max3A_763 : f32 to vector<16xf32>
    %select_n3A_768 = arith.select %eq3A_766, %broadcast_in_dim3A_767, %select_n3A_759 : vector<16xi1>, vector<16xf32>
    %reduce_max3A_769 = arith.constant true
    %reduce_max3A_770 = vector.broadcast %reduce_max3A_769 : i1 to vector<16xi1>
    %reduce_max3A_771 = tpu.scan <max>, %scan3A_702#7 masked %reduce_max3A_770 : vector<16xf32>, vector<16xi1> -> vector<16xf32>
    %reduce_max3A_772 = vector.extract %reduce_max3A_771[15] : f32 from vector<16xf32>
    %eq3A_773 = arith.constant 7 : i32
    %eq3A_774 = vector.broadcast %eq3A_773 : i32 to vector<16xi32>
    %eq3A_775 = arith.cmpi eq, %iota3A, %eq3A_774 : vector<16xi32>
    %broadcast_in_dim3A_776 = vector.broadcast %reduce_max3A_772 : f32 to vector<16xf32>
    %select_n3A_777 = arith.select %eq3A_775, %broadcast_in_dim3A_776, %select_n3A_768 : vector<16xi1>, vector<16xf32>
    %reduce_max3A_778 = arith.constant true
    %reduce_max3A_779 = vector.broadcast %reduce_max3A_778 : i1 to vector<16xi1>
    %reduce_max3A_780 = tpu.scan <max>, %scan3A_702#8 masked %reduce_max3A_779 : vector<16xf32>, vector<16xi1> -> vector<16xf32>
    %reduce_max3A_781 = vector.extract %reduce_max3A_780[15] : f32 from vector<16xf32>
    %eq3A_782 = arith.constant 8 : i32
    %eq3A_783 = vector.broadcast %eq3A_782 : i32 to vector<16xi32>
    %eq3A_784 = arith.cmpi eq, %iota3A, %eq3A_783 : vector<16xi32>
    %broadcast_in_dim3A_785 = vector.broadcast %reduce_max3A_781 : f32 to vector<16xf32>
    %select_n3A_786 = arith.select %eq3A_784, %broadcast_in_dim3A_785, %select_n3A_777 : vector<16xi1>, vector<16xf32>
    %reduce_max3A_787 = arith.constant true
    %reduce_max3A_788 = vector.broadcast %reduce_max3A_787 : i1 to vector<16xi1>
    %reduce_max3A_789 = tpu.scan <max>, %scan3A_702#9 masked %reduce_max3A_788 : vector<16xf32>, vector<16xi1> -> vector<16xf32>
    %reduce_max3A_790 = vector.extract %reduce_max3A_789[15] : f32 from vector<16xf32>
    %eq3A_791 = arith.constant 9 : i32
    %eq3A_792 = vector.broadcast %eq3A_791 : i32 to vector<16xi32>
    %eq3A_793 = arith.cmpi eq, %iota3A, %eq3A_792 : vector<16xi32>
    %broadcast_in_dim3A_794 = vector.broadcast %reduce_max3A_790 : f32 to vector<16xf32>
    %select_n3A_795 = arith.select %eq3A_793, %broadcast_in_dim3A_794, %select_n3A_786 : vector<16xi1>, vector<16xf32>
    %reduce_max3A_796 = arith.constant true
    %reduce_max3A_797 = vector.broadcast %reduce_max3A_796 : i1 to vector<16xi1>
    %reduce_max3A_798 = tpu.scan <max>, %scan3A_702#10 masked %reduce_max3A_797 : vector<16xf32>, vector<16xi1> -> vector<16xf32>
    %reduce_max3A_799 = vector.extract %reduce_max3A_798[15] : f32 from vector<16xf32>
    %eq3A_800 = arith.constant 10 : i32
    %eq3A_801 = vector.broadcast %eq3A_800 : i32 to vector<16xi32>
    %eq3A_802 = arith.cmpi eq, %iota3A, %eq3A_801 : vector<16xi32>
    %broadcast_in_dim3A_803 = vector.broadcast %reduce_max3A_799 : f32 to vector<16xf32>
    %select_n3A_804 = arith.select %eq3A_802, %broadcast_in_dim3A_803, %select_n3A_795 : vector<16xi1>, vector<16xf32>
    %reduce_max3A_805 = arith.constant true
    %reduce_max3A_806 = vector.broadcast %reduce_max3A_805 : i1 to vector<16xi1>
    %reduce_max3A_807 = tpu.scan <max>, %scan3A_702#11 masked %reduce_max3A_806 : vector<16xf32>, vector<16xi1> -> vector<16xf32>
    %reduce_max3A_808 = vector.extract %reduce_max3A_807[15] : f32 from vector<16xf32>
    %eq3A_809 = arith.constant 11 : i32
    %eq3A_810 = vector.broadcast %eq3A_809 : i32 to vector<16xi32>
    %eq3A_811 = arith.cmpi eq, %iota3A, %eq3A_810 : vector<16xi32>
    %broadcast_in_dim3A_812 = vector.broadcast %reduce_max3A_808 : f32 to vector<16xf32>
    %select_n3A_813 = arith.select %eq3A_811, %broadcast_in_dim3A_812, %select_n3A_804 : vector<16xi1>, vector<16xf32>
    %reduce_max3A_814 = arith.constant true
    %reduce_max3A_815 = vector.broadcast %reduce_max3A_814 : i1 to vector<16xi1>
    %reduce_max3A_816 = tpu.scan <max>, %scan3A_702#12 masked %reduce_max3A_815 : vector<16xf32>, vector<16xi1> -> vector<16xf32>
    %reduce_max3A_817 = vector.extract %reduce_max3A_816[15] : f32 from vector<16xf32>
    %eq3A_818 = arith.constant 12 : i32
    %eq3A_819 = vector.broadcast %eq3A_818 : i32 to vector<16xi32>
    %eq3A_820 = arith.cmpi eq, %iota3A, %eq3A_819 : vector<16xi32>
    %broadcast_in_dim3A_821 = vector.broadcast %reduce_max3A_817 : f32 to vector<16xf32>
    %select_n3A_822 = arith.select %eq3A_820, %broadcast_in_dim3A_821, %select_n3A_813 : vector<16xi1>, vector<16xf32>
    %reduce_max3A_823 = arith.constant true
    %reduce_max3A_824 = vector.broadcast %reduce_max3A_823 : i1 to vector<16xi1>
    %reduce_max3A_825 = tpu.scan <max>, %scan3A_702#13 masked %reduce_max3A_824 : vector<16xf32>, vector<16xi1> -> vector<16xf32>
    %reduce_max3A_826 = vector.extract %reduce_max3A_825[15] : f32 from vector<16xf32>
    %eq3A_827 = arith.constant 13 : i32
    %eq3A_828 = vector.broadcast %eq3A_827 : i32 to vector<16xi32>
    %eq3A_829 = arith.cmpi eq, %iota3A, %eq3A_828 : vector<16xi32>
    %broadcast_in_dim3A_830 = vector.broadcast %reduce_max3A_826 : f32 to vector<16xf32>
    %select_n3A_831 = arith.select %eq3A_829, %broadcast_in_dim3A_830, %select_n3A_822 : vector<16xi1>, vector<16xf32>
    %reduce_max3A_832 = arith.constant true
    %reduce_max3A_833 = vector.broadcast %reduce_max3A_832 : i1 to vector<16xi1>
    %reduce_max3A_834 = tpu.scan <max>, %scan3A_702#14 masked %reduce_max3A_833 : vector<16xf32>, vector<16xi1> -> vector<16xf32>
    %reduce_max3A_835 = vector.extract %reduce_max3A_834[15] : f32 from vector<16xf32>
    %eq3A_836 = arith.constant 14 : i32
    %eq3A_837 = vector.broadcast %eq3A_836 : i32 to vector<16xi32>
    %eq3A_838 = arith.cmpi eq, %iota3A, %eq3A_837 : vector<16xi32>
    %broadcast_in_dim3A_839 = vector.broadcast %reduce_max3A_835 : f32 to vector<16xf32>
    %select_n3A_840 = arith.select %eq3A_838, %broadcast_in_dim3A_839, %select_n3A_831 : vector<16xi1>, vector<16xf32>
    %reduce_max3A_841 = arith.constant true
    %reduce_max3A_842 = vector.broadcast %reduce_max3A_841 : i1 to vector<16xi1>
    %reduce_max3A_843 = tpu.scan <max>, %scan3A_702#15 masked %reduce_max3A_842 : vector<16xf32>, vector<16xi1> -> vector<16xf32>
    %reduce_max3A_844 = vector.extract %reduce_max3A_843[15] : f32 from vector<16xf32>
    %eq3A_845 = arith.constant 15 : i32
    %eq3A_846 = vector.broadcast %eq3A_845 : i32 to vector<16xi32>
    %eq3A_847 = arith.cmpi eq, %iota3A, %eq3A_846 : vector<16xi32>
    %broadcast_in_dim3A_848 = vector.broadcast %reduce_max3A_844 : f32 to vector<16xf32>
    %select_n3A_849 = arith.select %eq3A_847, %broadcast_in_dim3A_848, %select_n3A_840 : vector<16xi1>, vector<16xf32>
    %gt3A_850 = arith.constant 8.000000e-01 : f32
    %gt3A_851 = vector.broadcast %gt3A_850 : f32 to vector<16xf32>
    %gt3A_852 = arith.cmpf ogt, %select_n3A_849, %gt3A_851 : vector<16xf32>
    %sub3A_853 = arith.constant 1.000000e+00 : f32
    %sub3A_854 = vector.broadcast %sub3A_853 : f32 to vector<16xf32>
    %sub3A_855 = arith.subf %sub3A_854, %select_n3A_849 : vector<16xf32>
    %jit3A_856 = arith.constant 0.000000e+00 : f32
    %broadcast_in_dim3A_857 = vector.broadcast %jit3A_856 : f32 to vector<16xf32>
    %select_n3A_858 = arith.select %gt3A_852, %sub3A_855, %broadcast_in_dim3A_857 : vector<16xi1>, vector<16xf32>
    %broadcast_in_dim3A_859 = arith.constant 0.0833333358 : f32
    %broadcast_in_dim3A_860 = vector.broadcast %broadcast_in_dim3A_859 : f32 to vector<16xf32>
    %mul3A_861 = arith.mulf %broadcast_in_dim3A_860, %select_n3A_858 : vector<16xf32>
    %add3A_862 = arith.constant 0.0909090936 : f32
    %add3A_863 = vector.broadcast %add3A_862 : f32 to vector<16xf32>
    %add3A_864 = arith.addf %mul3A_861, %add3A_863 : vector<16xf32>
    %mul3A_865 = arith.mulf %add3A_864, %select_n3A_858 : vector<16xf32>
    %add3A_866 = arith.constant 1.000000e-01 : f32
    %add3A_867 = vector.broadcast %add3A_866 : f32 to vector<16xf32>
    %add3A_868 = arith.addf %mul3A_865, %add3A_867 : vector<16xf32>
    %mul3A_869 = arith.mulf %add3A_868, %select_n3A_858 : vector<16xf32>
    %add3A_870 = arith.constant 0.111111112 : f32
    %add3A_871 = vector.broadcast %add3A_870 : f32 to vector<16xf32>
    %add3A_872 = arith.addf %mul3A_869, %add3A_871 : vector<16xf32>
    %mul3A_873 = arith.mulf %add3A_872, %select_n3A_858 : vector<16xf32>
    %add3A_874 = arith.constant 1.250000e-01 : f32
    %add3A_875 = vector.broadcast %add3A_874 : f32 to vector<16xf32>
    %add3A_876 = arith.addf %mul3A_873, %add3A_875 : vector<16xf32>
    %mul3A_877 = arith.mulf %add3A_876, %select_n3A_858 : vector<16xf32>
    %add3A_878 = arith.constant 0.142857149 : f32
    %add3A_879 = vector.broadcast %add3A_878 : f32 to vector<16xf32>
    %add3A_880 = arith.addf %mul3A_877, %add3A_879 : vector<16xf32>
    %mul3A_881 = arith.mulf %add3A_880, %select_n3A_858 : vector<16xf32>
    %add3A_882 = arith.constant 0.166666672 : f32
    %add3A_883 = vector.broadcast %add3A_882 : f32 to vector<16xf32>
    %add3A_884 = arith.addf %mul3A_881, %add3A_883 : vector<16xf32>
    %mul3A_885 = arith.mulf %add3A_884, %select_n3A_858 : vector<16xf32>
    %add3A_886 = arith.constant 2.000000e-01 : f32
    %add3A_887 = vector.broadcast %add3A_886 : f32 to vector<16xf32>
    %add3A_888 = arith.addf %mul3A_885, %add3A_887 : vector<16xf32>
    %mul3A_889 = arith.mulf %add3A_888, %select_n3A_858 : vector<16xf32>
    %add3A_890 = arith.constant 2.500000e-01 : f32
    %add3A_891 = vector.broadcast %add3A_890 : f32 to vector<16xf32>
    %add3A_892 = arith.addf %mul3A_889, %add3A_891 : vector<16xf32>
    %mul3A_893 = arith.mulf %add3A_892, %select_n3A_858 : vector<16xf32>
    %add3A_894 = arith.constant 0.333333343 : f32
    %add3A_895 = vector.broadcast %add3A_894 : f32 to vector<16xf32>
    %add3A_896 = arith.addf %mul3A_893, %add3A_895 : vector<16xf32>
    %mul3A_897 = arith.mulf %add3A_896, %select_n3A_858 : vector<16xf32>
    %add3A_898 = arith.constant 5.000000e-01 : f32
    %add3A_899 = vector.broadcast %add3A_898 : f32 to vector<16xf32>
    %add3A_900 = arith.addf %mul3A_897, %add3A_899 : vector<16xf32>
    %mul3A_901 = arith.mulf %add3A_900, %select_n3A_858 : vector<16xf32>
    %add3A_902 = arith.constant 1.000000e+00 : f32
    %add3A_903 = vector.broadcast %add3A_902 : f32 to vector<16xf32>
    %add3A_904 = arith.addf %mul3A_901, %add3A_903 : vector<16xf32>
    %mul3A_905 = arith.mulf %select_n3A_858, %add3A_904 : vector<16xf32>
    %mul3A_906 = arith.mulf %select_n3A_858, %select_n3A_858 : vector<16xf32>
    %mul3A_907 = arith.mulf %mul3A_906, %mul3A_905 : vector<16xf32>
    %add3A_908 = arith.addf %add3A_467, %mul3A_907 : vector<16xf32>
    %jit3A_909 = arith.constant 1.000000e+00 : f32
    %jit3A_910 = arith.constant 0.000000e+00 : f32
    %broadcast_in_dim3A_911 = vector.broadcast %jit3A_909 : f32 to vector<16xf32>
    %broadcast_in_dim3A_912 = vector.broadcast %jit3A_910 : f32 to vector<16xf32>
    %select_n3A_913 = arith.select %gt3A_852, %broadcast_in_dim3A_911, %broadcast_in_dim3A_912 : vector<16xi1>, vector<16xf32>
    %add3A_914 = arith.addf %add3A_473, %select_n3A_913 : vector<16xf32>
    %swap3A = arith.constant 0 : i32
    %swap3A_915 = arith.index_cast %swap3A : i32 to index
    %swap3A_916 = arith.constant 0 : index
    %swap3A_917 = tpu.vector_load %arg6[%swap3A_915, %swap3A_916] {strides = array<i32>} : memref<2x16xf32, #tpu.memory_space<vmem>>, vector<16xf32>,
    tpu.vector_store %arg6[%swap3A_915, %swap3A_916], %add3A_908 {strides = array<i32>} : memref<2x16xf32, #tpu.memory_space<vmem>>, vector<16xf32>,
    %swap3A_918 = arith.constant 1 : i32
    %swap3A_919 = arith.index_cast %swap3A_918 : i32 to index
    %swap3A_920 = arith.constant 0 : index
    %swap3A_921 = tpu.vector_load %arg6[%swap3A_919, %swap3A_920] {strides = array<i32>} : memref<2x16xf32, #tpu.memory_space<vmem>>, vector<16xf32>,
    tpu.vector_store %arg6[%swap3A_919, %swap3A_920], %add3A_914 {strides = array<i32>} : memref<2x16xf32, #tpu.memory_space<vmem>>, vector<16xf32>,
    %eq3A_922 = arith.constant 0 : i32
    %eq3A_923 = arith.cmpi eq, %arg0, %eq3A_922 : i32
    %convert_element_type3A = arith.extui %eq3A_923 : i1 to i32
    %cond3A = arith.constant 0 : i32
    %cond3A_924 = arith.cmpi ne, %convert_element_type3A, %cond3A : i32
    scf.if %cond3A_924 {
      %mul3A_930 = arith.constant 16 : i32
      %mul3A_931 = arith.muli %arg1, %mul3A_930 : i32
      %run_scoped3A = arith.constant 0 : i32
      %run_scoped3A_932 = arith.constant 0 : i32
      "tpu.region"() ({
        %run_scoped3A_937 = tpu.sem_alloc : memref<!tpu.dma_semaphore, #tpu.memory_space<semaphore_mem>>
        %dma_start3A_938 = arith.constant 0 : i32
        %dma_start3A_939 = tpu.memref_slice %arg6[%run_scoped3A, %dma_start3A_938] : memref<2x16xf32, #tpu.memory_space<vmem>> -> memref<1x16xf32, #tpu.memory_space<vmem>>
        %dma_start3A_940 = tpu.memref_squeeze %dma_start3A_939 : memref<1x16xf32, #tpu.memory_space<vmem>> -> memref<16xf32, #tpu.memory_space<vmem>>
        %dma_start3A_941 = tpu.memref_slice %arg3[%run_scoped3A_932, %mul3A_931] : memref<2x256xf32, #tpu.memory_space<hbm>> -> memref<1x16xf32, #tpu.memory_space<hbm>>
        %dma_start3A_942 = tpu.memref_squeeze %dma_start3A_941 : memref<1x16xf32, #tpu.memory_space<hbm>> -> memref<16xf32, #tpu.memory_space<hbm>>
        %dma_start3A_943 = tpu.memref_slice %arg3[%run_scoped3A_932, %mul3A_931] : memref<2x256xf32, #tpu.memory_space<hbm>> -> memref<1x16xf32, #tpu.memory_space<hbm>>
        %dma_start3A_944 = tpu.memref_squeeze %dma_start3A_943 : memref<1x16xf32, #tpu.memory_space<hbm>> -> memref<16xf32, #tpu.memory_space<hbm>>
        %dma_start3A_945 = arith.constant 0 : i32
        %dma_start3A_946 = tpu.memref_slice %arg6[%run_scoped3A, %dma_start3A_945] : memref<2x16xf32, #tpu.memory_space<vmem>> -> memref<1x16xf32, #tpu.memory_space<vmem>>
        %dma_start3A_947 = tpu.memref_squeeze %dma_start3A_946 : memref<1x16xf32, #tpu.memory_space<vmem>> -> memref<16xf32, #tpu.memory_space<vmem>>
        tpu.enqueue_dma source(%dma_start3A_947 : memref<16xf32, #tpu.memory_space<vmem>>) target(%dma_start3A_944 : memref<16xf32, #tpu.memory_space<hbm>>) target_semaphore(%run_scoped3A_937 : memref<!tpu.dma_semaphore, #tpu.memory_space<semaphore_mem>>)
        %dma_wait3A_948 = arith.constant 0 : i32
        %dma_wait3A_949 = tpu.memref_slice %arg6[%run_scoped3A, %dma_wait3A_948] : memref<2x16xf32, #tpu.memory_space<vmem>> -> memref<1x16xf32, #tpu.memory_space<vmem>>
        %dma_wait3A_950 = tpu.memref_squeeze %dma_wait3A_949 : memref<1x16xf32, #tpu.memory_space<vmem>> -> memref<16xf32, #tpu.memory_space<vmem>>
        %dma_wait3A_951 = tpu.memref_slice %arg3[%run_scoped3A_932, %mul3A_931] : memref<2x256xf32, #tpu.memory_space<hbm>> -> memref<1x16xf32, #tpu.memory_space<hbm>>
        %dma_wait3A_952 = tpu.memref_squeeze %dma_wait3A_951 : memref<1x16xf32, #tpu.memory_space<hbm>> -> memref<16xf32, #tpu.memory_space<hbm>>
        %dma_wait3A_953 = tpu.memref_slice %arg3[%run_scoped3A_932, %mul3A_931] : memref<2x256xf32, #tpu.memory_space<hbm>> -> memref<1x16xf32, #tpu.memory_space<hbm>>
        %dma_wait3A_954 = tpu.memref_squeeze %dma_wait3A_953 : memref<1x16xf32, #tpu.memory_space<hbm>> -> memref<16xf32, #tpu.memory_space<hbm>>
        %dma_wait3A_955 = arith.constant 0 : i32
        %dma_wait3A_956 = tpu.memref_slice %arg6[%run_scoped3A, %dma_wait3A_955] : memref<2x16xf32, #tpu.memory_space<vmem>> -> memref<1x16xf32, #tpu.memory_space<vmem>>
        %dma_wait3A_957 = tpu.memref_squeeze %dma_wait3A_956 : memref<1x16xf32, #tpu.memory_space<vmem>> -> memref<16xf32, #tpu.memory_space<vmem>>
        tpu.wait_dma2 semaphore(%run_scoped3A_937 : memref<!tpu.dma_semaphore, #tpu.memory_space<semaphore_mem>>) src(%dma_wait3A_957 : memref<16xf32, #tpu.memory_space<vmem>>) dst(%dma_wait3A_954 : memref<16xf32, #tpu.memory_space<hbm>>)
        tpu.yield
      }) : () -> ()
      %mul3A_933 = arith.constant 16 : i32
      %mul3A_934 = arith.muli %arg1, %mul3A_933 : i32
      %run_scoped3A_935 = arith.constant 1 : i32
      %run_scoped3A_936 = arith.constant 1 : i32
      "tpu.region"() ({
        %run_scoped3A_937 = tpu.sem_alloc : memref<!tpu.dma_semaphore, #tpu.memory_space<semaphore_mem>>
        %dma_start3A_938 = arith.constant 0 : i32
        %dma_start3A_939 = tpu.memref_slice %arg6[%run_scoped3A_935, %dma_start3A_938] : memref<2x16xf32, #tpu.memory_space<vmem>> -> memref<1x16xf32, #tpu.memory_space<vmem>>
        %dma_start3A_940 = tpu.memref_squeeze %dma_start3A_939 : memref<1x16xf32, #tpu.memory_space<vmem>> -> memref<16xf32, #tpu.memory_space<vmem>>
        %dma_start3A_941 = tpu.memref_slice %arg3[%run_scoped3A_936, %mul3A_934] : memref<2x256xf32, #tpu.memory_space<hbm>> -> memref<1x16xf32, #tpu.memory_space<hbm>>
        %dma_start3A_942 = tpu.memref_squeeze %dma_start3A_941 : memref<1x16xf32, #tpu.memory_space<hbm>> -> memref<16xf32, #tpu.memory_space<hbm>>
        %dma_start3A_943 = tpu.memref_slice %arg3[%run_scoped3A_936, %mul3A_934] : memref<2x256xf32, #tpu.memory_space<hbm>> -> memref<1x16xf32, #tpu.memory_space<hbm>>
        %dma_start3A_944 = tpu.memref_squeeze %dma_start3A_943 : memref<1x16xf32, #tpu.memory_space<hbm>> -> memref<16xf32, #tpu.memory_space<hbm>>
        %dma_start3A_945 = arith.constant 0 : i32
        %dma_start3A_946 = tpu.memref_slice %arg6[%run_scoped3A_935, %dma_start3A_945] : memref<2x16xf32, #tpu.memory_space<vmem>> -> memref<1x16xf32, #tpu.memory_space<vmem>>
        %dma_start3A_947 = tpu.memref_squeeze %dma_start3A_946 : memref<1x16xf32, #tpu.memory_space<vmem>> -> memref<16xf32, #tpu.memory_space<vmem>>
        tpu.enqueue_dma source(%dma_start3A_947 : memref<16xf32, #tpu.memory_space<vmem>>) target(%dma_start3A_944 : memref<16xf32, #tpu.memory_space<hbm>>) target_semaphore(%run_scoped3A_937 : memref<!tpu.dma_semaphore, #tpu.memory_space<semaphore_mem>>)
        %dma_wait3A_948 = arith.constant 0 : i32
        %dma_wait3A_949 = tpu.memref_slice %arg6[%run_scoped3A_935, %dma_wait3A_948] : memref<2x16xf32, #tpu.memory_space<vmem>> -> memref<1x16xf32, #tpu.memory_space<vmem>>
        %dma_wait3A_950 = tpu.memref_squeeze %dma_wait3A_949 : memref<1x16xf32, #tpu.memory_space<vmem>> -> memref<16xf32, #tpu.memory_space<vmem>>
        %dma_wait3A_951 = tpu.memref_slice %arg3[%run_scoped3A_936, %mul3A_934] : memref<2x256xf32, #tpu.memory_space<hbm>> -> memref<1x16xf32, #tpu.memory_space<hbm>>
        %dma_wait3A_952 = tpu.memref_squeeze %dma_wait3A_951 : memref<1x16xf32, #tpu.memory_space<hbm>> -> memref<16xf32, #tpu.memory_space<hbm>>
        %dma_wait3A_953 = tpu.memref_slice %arg3[%run_scoped3A_936, %mul3A_934] : memref<2x256xf32, #tpu.memory_space<hbm>> -> memref<1x16xf32, #tpu.memory_space<hbm>>
        %dma_wait3A_954 = tpu.memref_squeeze %dma_wait3A_953 : memref<1x16xf32, #tpu.memory_space<hbm>> -> memref<16xf32, #tpu.memory_space<hbm>>
        %dma_wait3A_955 = arith.constant 0 : i32
        %dma_wait3A_956 = tpu.memref_slice %arg6[%run_scoped3A_935, %dma_wait3A_955] : memref<2x16xf32, #tpu.memory_space<vmem>> -> memref<1x16xf32, #tpu.memory_space<vmem>>
        %dma_wait3A_957 = tpu.memref_squeeze %dma_wait3A_956 : memref<1x16xf32, #tpu.memory_space<vmem>> -> memref<16xf32, #tpu.memory_space<vmem>>
        tpu.wait_dma2 semaphore(%run_scoped3A_937 : memref<!tpu.dma_semaphore, #tpu.memory_space<semaphore_mem>>) src(%dma_wait3A_957 : memref<16xf32, #tpu.memory_space<vmem>>) dst(%dma_wait3A_954 : memref<16xf32, #tpu.memory_space<hbm>>)
        tpu.yield
      }) : () -> ()
    } else {
    }
    %eq3A_925 = arith.constant 1 : i32
    %eq3A_926 = arith.cmpi eq, %arg0, %eq3A_925 : i32
    %convert_element_type3A_927 = arith.extui %eq3A_926 : i1 to i32
    %cond3A_928 = arith.constant 0 : i32
    %cond3A_929 = arith.cmpi ne, %convert_element_type3A_927, %cond3A_928 : i32
    scf.if %cond3A_929 {
      %mul3A_930 = arith.constant 16 : i32
      %mul3A_931 = arith.muli %arg1, %mul3A_930 : i32
      %run_scoped3A = arith.constant 0 : i32
      %run_scoped3A_932 = arith.constant 0 : i32
      "tpu.region"() ({
        %run_scoped3A_937 = tpu.sem_alloc : memref<!tpu.dma_semaphore, #tpu.memory_space<semaphore_mem>>
        %dma_start3A_938 = arith.constant 0 : i32
        %dma_start3A_939 = tpu.memref_slice %arg6[%run_scoped3A, %dma_start3A_938] : memref<2x16xf32, #tpu.memory_space<vmem>> -> memref<1x16xf32, #tpu.memory_space<vmem>>
        %dma_start3A_940 = tpu.memref_squeeze %dma_start3A_939 : memref<1x16xf32, #tpu.memory_space<vmem>> -> memref<16xf32, #tpu.memory_space<vmem>>
        %dma_start3A_941 = tpu.memref_slice %arg4[%run_scoped3A_932, %mul3A_931] : memref<2x256xf32, #tpu.memory_space<hbm>> -> memref<1x16xf32, #tpu.memory_space<hbm>>
        %dma_start3A_942 = tpu.memref_squeeze %dma_start3A_941 : memref<1x16xf32, #tpu.memory_space<hbm>> -> memref<16xf32, #tpu.memory_space<hbm>>
        %dma_start3A_943 = tpu.memref_slice %arg4[%run_scoped3A_932, %mul3A_931] : memref<2x256xf32, #tpu.memory_space<hbm>> -> memref<1x16xf32, #tpu.memory_space<hbm>>
        %dma_start3A_944 = tpu.memref_squeeze %dma_start3A_943 : memref<1x16xf32, #tpu.memory_space<hbm>> -> memref<16xf32, #tpu.memory_space<hbm>>
        %dma_start3A_945 = arith.constant 0 : i32
        %dma_start3A_946 = tpu.memref_slice %arg6[%run_scoped3A, %dma_start3A_945] : memref<2x16xf32, #tpu.memory_space<vmem>> -> memref<1x16xf32, #tpu.memory_space<vmem>>
        %dma_start3A_947 = tpu.memref_squeeze %dma_start3A_946 : memref<1x16xf32, #tpu.memory_space<vmem>> -> memref<16xf32, #tpu.memory_space<vmem>>
        tpu.enqueue_dma source(%dma_start3A_947 : memref<16xf32, #tpu.memory_space<vmem>>) target(%dma_start3A_944 : memref<16xf32, #tpu.memory_space<hbm>>) target_semaphore(%run_scoped3A_937 : memref<!tpu.dma_semaphore, #tpu.memory_space<semaphore_mem>>)
        %dma_wait3A_948 = arith.constant 0 : i32
        %dma_wait3A_949 = tpu.memref_slice %arg6[%run_scoped3A, %dma_wait3A_948] : memref<2x16xf32, #tpu.memory_space<vmem>> -> memref<1x16xf32, #tpu.memory_space<vmem>>
        %dma_wait3A_950 = tpu.memref_squeeze %dma_wait3A_949 : memref<1x16xf32, #tpu.memory_space<vmem>> -> memref<16xf32, #tpu.memory_space<vmem>>
        %dma_wait3A_951 = tpu.memref_slice %arg4[%run_scoped3A_932, %mul3A_931] : memref<2x256xf32, #tpu.memory_space<hbm>> -> memref<1x16xf32, #tpu.memory_space<hbm>>
        %dma_wait3A_952 = tpu.memref_squeeze %dma_wait3A_951 : memref<1x16xf32, #tpu.memory_space<hbm>> -> memref<16xf32, #tpu.memory_space<hbm>>
        %dma_wait3A_953 = tpu.memref_slice %arg4[%run_scoped3A_932, %mul3A_931] : memref<2x256xf32, #tpu.memory_space<hbm>> -> memref<1x16xf32, #tpu.memory_space<hbm>>
        %dma_wait3A_954 = tpu.memref_squeeze %dma_wait3A_953 : memref<1x16xf32, #tpu.memory_space<hbm>> -> memref<16xf32, #tpu.memory_space<hbm>>
        %dma_wait3A_955 = arith.constant 0 : i32
        %dma_wait3A_956 = tpu.memref_slice %arg6[%run_scoped3A, %dma_wait3A_955] : memref<2x16xf32, #tpu.memory_space<vmem>> -> memref<1x16xf32, #tpu.memory_space<vmem>>
        %dma_wait3A_957 = tpu.memref_squeeze %dma_wait3A_956 : memref<1x16xf32, #tpu.memory_space<vmem>> -> memref<16xf32, #tpu.memory_space<vmem>>
        tpu.wait_dma2 semaphore(%run_scoped3A_937 : memref<!tpu.dma_semaphore, #tpu.memory_space<semaphore_mem>>) src(%dma_wait3A_957 : memref<16xf32, #tpu.memory_space<vmem>>) dst(%dma_wait3A_954 : memref<16xf32, #tpu.memory_space<hbm>>)
        tpu.yield
      }) : () -> ()
      %mul3A_933 = arith.constant 16 : i32
      %mul3A_934 = arith.muli %arg1, %mul3A_933 : i32
      %run_scoped3A_935 = arith.constant 1 : i32
      %run_scoped3A_936 = arith.constant 1 : i32
      "tpu.region"() ({
        %run_scoped3A_937 = tpu.sem_alloc : memref<!tpu.dma_semaphore, #tpu.memory_space<semaphore_mem>>
        %dma_start3A_938 = arith.constant 0 : i32
        %dma_start3A_939 = tpu.memref_slice %arg6[%run_scoped3A_935, %dma_start3A_938] : memref<2x16xf32, #tpu.memory_space<vmem>> -> memref<1x16xf32, #tpu.memory_space<vmem>>
        %dma_start3A_940 = tpu.memref_squeeze %dma_start3A_939 : memref<1x16xf32, #tpu.memory_space<vmem>> -> memref<16xf32, #tpu.memory_space<vmem>>
        %dma_start3A_941 = tpu.memref_slice %arg4[%run_scoped3A_936, %mul3A_934] : memref<2x256xf32, #tpu.memory_space<hbm>> -> memref<1x16xf32, #tpu.memory_space<hbm>>
        %dma_start3A_942 = tpu.memref_squeeze %dma_start3A_941 : memref<1x16xf32, #tpu.memory_space<hbm>> -> memref<16xf32, #tpu.memory_space<hbm>>
        %dma_start3A_943 = tpu.memref_slice %arg4[%run_scoped3A_936, %mul3A_934] : memref<2x256xf32, #tpu.memory_space<hbm>> -> memref<1x16xf32, #tpu.memory_space<hbm>>
        %dma_start3A_944 = tpu.memref_squeeze %dma_start3A_943 : memref<1x16xf32, #tpu.memory_space<hbm>> -> memref<16xf32, #tpu.memory_space<hbm>>
        %dma_start3A_945 = arith.constant 0 : i32
        %dma_start3A_946 = tpu.memref_slice %arg6[%run_scoped3A_935, %dma_start3A_945] : memref<2x16xf32, #tpu.memory_space<vmem>> -> memref<1x16xf32, #tpu.memory_space<vmem>>
        %dma_start3A_947 = tpu.memref_squeeze %dma_start3A_946 : memref<1x16xf32, #tpu.memory_space<vmem>> -> memref<16xf32, #tpu.memory_space<vmem>>
        tpu.enqueue_dma source(%dma_start3A_947 : memref<16xf32, #tpu.memory_space<vmem>>) target(%dma_start3A_944 : memref<16xf32, #tpu.memory_space<hbm>>) target_semaphore(%run_scoped3A_937 : memref<!tpu.dma_semaphore, #tpu.memory_space<semaphore_mem>>)
        %dma_wait3A_948 = arith.constant 0 : i32
        %dma_wait3A_949 = tpu.memref_slice %arg6[%run_scoped3A_935, %dma_wait3A_948] : memref<2x16xf32, #tpu.memory_space<vmem>> -> memref<1x16xf32, #tpu.memory_space<vmem>>
        %dma_wait3A_950 = tpu.memref_squeeze %dma_wait3A_949 : memref<1x16xf32, #tpu.memory_space<vmem>> -> memref<16xf32, #tpu.memory_space<vmem>>
        %dma_wait3A_951 = tpu.memref_slice %arg4[%run_scoped3A_936, %mul3A_934] : memref<2x256xf32, #tpu.memory_space<hbm>> -> memref<1x16xf32, #tpu.memory_space<hbm>>
        %dma_wait3A_952 = tpu.memref_squeeze %dma_wait3A_951 : memref<1x16xf32, #tpu.memory_space<hbm>> -> memref<16xf32, #tpu.memory_space<hbm>>
        %dma_wait3A_953 = tpu.memref_slice %arg4[%run_scoped3A_936, %mul3A_934] : memref<2x256xf32, #tpu.memory_space<hbm>> -> memref<1x16xf32, #tpu.memory_space<hbm>>
        %dma_wait3A_954 = tpu.memref_squeeze %dma_wait3A_953 : memref<1x16xf32, #tpu.memory_space<hbm>> -> memref<16xf32, #tpu.memory_space<hbm>>
        %dma_wait3A_955 = arith.constant 0 : i32
        %dma_wait3A_956 = tpu.memref_slice %arg6[%run_scoped3A_935, %dma_wait3A_955] : memref<2x16xf32, #tpu.memory_space<vmem>> -> memref<1x16xf32, #tpu.memory_space<vmem>>
        %dma_wait3A_957 = tpu.memref_squeeze %dma_wait3A_956 : memref<1x16xf32, #tpu.memory_space<vmem>> -> memref<16xf32, #tpu.memory_space<vmem>>
        tpu.wait_dma2 semaphore(%run_scoped3A_937 : memref<!tpu.dma_semaphore, #tpu.memory_space<semaphore_mem>>) src(%dma_wait3A_957 : memref<16xf32, #tpu.memory_space<vmem>>) dst(%dma_wait3A_954 : memref<16xf32, #tpu.memory_space<hbm>>)
        tpu.yield
      }) : () -> ()
    } else {
    }
    return
  }
}

module attributes {stable_mosaic.version = 14 : i64} {
  func.func @_finish_body(%arg0: memref<2x256xf32, #tpu.memory_space<vmem>>, %arg1: memref<2x256xf32, #tpu.memory_space<vmem>>, %arg2: memref<4x128xf32, #tpu.memory_space<vmem>>, %arg3: memref<4x128xf32, #tpu.memory_space<vmem>>, %arg4: memref<1x1xf32, #tpu.memory_space<vmem>>) attributes {dimension_semantics = [], scalar_prefetch = 0 : i64, scratch_operands = 0 : i64, tpu.core_type = #tpu.core_type<tc>} {
    %get3A = arith.constant 0 : index
    %get3A_0 = arith.constant 0 : index
    %get3A_1 = vector.load %arg0[%get3A, %get3A_0] : memref<2x256xf32, #tpu.memory_space<vmem>>, vector<1x256xf32>
    %get3A_2 = vector.shape_cast %get3A_1 : vector<1x256xf32> to vector<256xf32>
    %reduce_sum3A = vector.shape_cast %get3A_2 : vector<256xf32> to vector<1x256xf32>
    %reduce_sum3A_3 = arith.constant dense<0.000000e+00> : vector<1xf32>
    %reduce_sum3A_4 = vector.multi_reduction <add>, %reduce_sum3A, %reduce_sum3A_3 [1] : vector<1x256xf32> to vector<1xf32>
    %reduce_sum3A_5 = vector.shape_cast %reduce_sum3A_4 : vector<1xf32> to vector<1x1xf32>
    %reduce_sum3A_6 = vector.extract %reduce_sum3A_5[0, 0] : f32 from vector<1x1xf32>
    %get3A_7 = arith.constant 0 : index
    %get3A_8 = arith.constant 0 : index
    %get3A_9 = vector.load %arg1[%get3A_7, %get3A_8] : memref<2x256xf32, #tpu.memory_space<vmem>>, vector<1x256xf32>
    %get3A_10 = vector.shape_cast %get3A_9 : vector<1x256xf32> to vector<256xf32>
    %reduce_sum3A_11 = vector.shape_cast %get3A_10 : vector<256xf32> to vector<1x256xf32>
    %reduce_sum3A_12 = arith.constant dense<0.000000e+00> : vector<1xf32>
    %reduce_sum3A_13 = vector.multi_reduction <add>, %reduce_sum3A_11, %reduce_sum3A_12 [1] : vector<1x256xf32> to vector<1xf32>
    %reduce_sum3A_14 = vector.shape_cast %reduce_sum3A_13 : vector<1xf32> to vector<1x1xf32>
    %reduce_sum3A_15 = vector.extract %reduce_sum3A_14[0, 0] : f32 from vector<1x1xf32>
    %add3A = arith.addf %reduce_sum3A_6, %reduce_sum3A_15 : f32
    %get3A_16 = arith.constant 0 : index
    %get3A_17 = arith.constant 0 : index
    %get3A_18 = vector.load %arg2[%get3A_16, %get3A_17] : memref<4x128xf32, #tpu.memory_space<vmem>>, vector<4x128xf32>
    %reduce_sum3A_19 = vector.shape_cast %get3A_18 : vector<4x128xf32> to vector<1x4x128xf32>
    %reduce_sum3A_20 = arith.constant dense<0.000000e+00> : vector<1xf32>
    %reduce_sum3A_21 = vector.multi_reduction <add>, %reduce_sum3A_19, %reduce_sum3A_20 [1, 2] : vector<1x4x128xf32> to vector<1xf32>
    %reduce_sum3A_22 = vector.shape_cast %reduce_sum3A_21 : vector<1xf32> to vector<1x1x1xf32>
    %reduce_sum3A_23 = vector.extract %reduce_sum3A_22[0, 0, 0] : f32 from vector<1x1x1xf32>
    %add3A_24 = arith.addf %add3A, %reduce_sum3A_23 : f32
    %get3A_25 = arith.constant 1 : index
    %get3A_26 = arith.constant 0 : index
    %get3A_27 = vector.load %arg0[%get3A_25, %get3A_26] : memref<2x256xf32, #tpu.memory_space<vmem>>, vector<1x256xf32>
    %get3A_28 = vector.shape_cast %get3A_27 : vector<1x256xf32> to vector<256xf32>
    %reduce_sum3A_29 = vector.shape_cast %get3A_28 : vector<256xf32> to vector<1x256xf32>
    %reduce_sum3A_30 = arith.constant dense<0.000000e+00> : vector<1xf32>
    %reduce_sum3A_31 = vector.multi_reduction <add>, %reduce_sum3A_29, %reduce_sum3A_30 [1] : vector<1x256xf32> to vector<1xf32>
    %reduce_sum3A_32 = vector.shape_cast %reduce_sum3A_31 : vector<1xf32> to vector<1x1xf32>
    %reduce_sum3A_33 = vector.extract %reduce_sum3A_32[0, 0] : f32 from vector<1x1xf32>
    %get3A_34 = arith.constant 1 : index
    %get3A_35 = arith.constant 0 : index
    %get3A_36 = vector.load %arg1[%get3A_34, %get3A_35] : memref<2x256xf32, #tpu.memory_space<vmem>>, vector<1x256xf32>
    %get3A_37 = vector.shape_cast %get3A_36 : vector<1x256xf32> to vector<256xf32>
    %reduce_sum3A_38 = vector.shape_cast %get3A_37 : vector<256xf32> to vector<1x256xf32>
    %reduce_sum3A_39 = arith.constant dense<0.000000e+00> : vector<1xf32>
    %reduce_sum3A_40 = vector.multi_reduction <add>, %reduce_sum3A_38, %reduce_sum3A_39 [1] : vector<1x256xf32> to vector<1xf32>
    %reduce_sum3A_41 = vector.shape_cast %reduce_sum3A_40 : vector<1xf32> to vector<1x1xf32>
    %reduce_sum3A_42 = vector.extract %reduce_sum3A_41[0, 0] : f32 from vector<1x1xf32>
    %add3A_43 = arith.addf %reduce_sum3A_33, %reduce_sum3A_42 : f32
    %get3A_44 = arith.constant 0 : index
    %get3A_45 = arith.constant 0 : index
    %get3A_46 = vector.load %arg3[%get3A_44, %get3A_45] : memref<4x128xf32, #tpu.memory_space<vmem>>, vector<4x128xf32>
    %reduce_sum3A_47 = vector.shape_cast %get3A_46 : vector<4x128xf32> to vector<1x4x128xf32>
    %reduce_sum3A_48 = arith.constant dense<0.000000e+00> : vector<1xf32>
    %reduce_sum3A_49 = vector.multi_reduction <add>, %reduce_sum3A_47, %reduce_sum3A_48 [1, 2] : vector<1x4x128xf32> to vector<1xf32>
    %reduce_sum3A_50 = vector.shape_cast %reduce_sum3A_49 : vector<1xf32> to vector<1x1x1xf32>
    %reduce_sum3A_51 = vector.extract %reduce_sum3A_50[0, 0, 0] : f32 from vector<1x1x1xf32>
    %add3A_52 = arith.addf %add3A_43, %reduce_sum3A_51 : f32
    %max3A = arith.constant 1.000000e+00 : f32
    %max3A_53 = arith.maximumf %add3A_52, %max3A : f32
    %div3A = arith.divf %add3A_24, %max3A_53 : f32
    %reshape3A = vector.broadcast %div3A : f32 to vector<1x1xf32>
    %swap3A = arith.constant 0 : index
    %swap3A_54 = arith.constant 0 : index
    %swap3A_55 = vector.load %arg4[%swap3A, %swap3A_54] : memref<1x1xf32, #tpu.memory_space<vmem>>, vector<1x1xf32>
    tpu.vector_store %arg4[%swap3A, %swap3A_54], %reshape3A {strides = array<i32>} : memref<1x1xf32, #tpu.memory_space<vmem>>, vector<1x1xf32>,
    return
  }
}

module attributes {stable_mosaic.version = 14 : i64} {
  func.func @_tc_part_body(%arg0: i32, %arg1: memref<1x512x2048xf32, #tpu.memory_space<vmem>>, %arg2: memref<4x128xf32, #tpu.memory_space<vmem>>, %arg3: memref<4x128xf32, #tpu.memory_space<vmem>>) attributes {dimension_semantics = [#tpu.dimension_semantics<arbitrary>], iteration_bounds = array<i64: 6>, scalar_prefetch = 0 : i64, scratch_operands = 0 : i64, tpu.core_type = #tpu.core_type<tc>, window_params = [{transform_indices = @transform_0, window_bounds = array<i64: 1, 512, 2048>}, {pipeline_mode = #tpu.pipeline_mode<synchronous>, transform_indices = @transform_1, window_bounds = array<i64: 4, 128>}, {pipeline_mode = #tpu.pipeline_mode<synchronous>, transform_indices = @transform_2, window_bounds = array<i64: 4, 128>}]} {
    %get3A = arith.constant 0 : index
    %get3A_0 = arith.constant 0 : index
    %get3A_1 = arith.constant 0 : index
    %get3A_2 = vector.load %arg1[%get3A, %get3A_0, %get3A_1] : memref<1x512x2048xf32, #tpu.memory_space<vmem>>, vector<1x512x2048xf32>
    %get3A_3 = vector.shape_cast %get3A_2 : vector<1x512x2048xf32> to vector<512x2048xf32>
    %reshape3A = vector.shape_cast %get3A_3 : vector<512x2048xf32> to vector<4x128x2048xf32>
    %reduce_max3A = arith.constant dense<0xFF800000> : vector<4x128xf32>
    %reduce_max3A_4 = vector.multi_reduction <maximumf>, %reshape3A, %reduce_max3A [2] : vector<4x128x2048xf32> to vector<4x128xf32>
    %gt3A = arith.constant 8.000000e-01 : f32
    %gt3A_5 = vector.broadcast %gt3A : f32 to vector<4x128xf32>
    %gt3A_6 = arith.cmpf ogt, %reduce_max3A_4, %gt3A_5 : vector<4x128xf32>
    %jit3A = arith.constant 1.000000e+00 : f32
    %broadcast_in_dim3A = vector.broadcast %jit3A : f32 to vector<4x128xf32>
    %select_n3A = arith.select %gt3A_6, %reduce_max3A_4, %broadcast_in_dim3A : vector<4x128xi1>, vector<4x128xf32>
    %sub3A = arith.constant 1.000000e+00 : f32
    %sub3A_7 = vector.broadcast %sub3A : f32 to vector<4x128xf32>
    %sub3A_8 = arith.subf %sub3A_7, %select_n3A : vector<4x128xf32>
    %mul3A = arith.mulf %sub3A_8, %sub3A_8 : vector<4x128xf32>
    %log3A = math.log %select_n3A : vector<4x128xf32>
    %neg3A = arith.constant 0.000000e+00 : f32
    %neg3A_9 = vector.broadcast %neg3A : f32 to vector<4x128xf32>
    %neg3A_10 = arith.subf %neg3A_9, %log3A : vector<4x128xf32>
    %mul3A_11 = arith.mulf %mul3A, %neg3A_10 : vector<4x128xf32>
    %eq3A = arith.constant 0 : i32
    %eq3A_12 = arith.cmpi eq, %arg0, %eq3A : i32
    %convert_element_type3A = arith.extui %eq3A_12 : i1 to i32
    %cond3A = arith.constant 0 : i32
    %cond3A_13 = arith.cmpi ne, %convert_element_type3A, %cond3A : i32
    scf.if %cond3A_13 {
      %broadcast_in_dim3A_28 = arith.constant 0.000000e+00 : f32
      %broadcast_in_dim3A_29 = vector.broadcast %broadcast_in_dim3A_28 : f32 to vector<4x128xf32>
      %swap3A_30 = arith.constant 0 : index
      %swap3A_31 = arith.constant 0 : index
      %swap3A_32 = vector.load %arg2[%swap3A_30, %swap3A_31] : memref<4x128xf32, #tpu.memory_space<vmem>>, vector<4x128xf32>
      tpu.vector_store %arg2[%swap3A_30, %swap3A_31], %broadcast_in_dim3A_29 {strides = array<i32>} : memref<4x128xf32, #tpu.memory_space<vmem>>, vector<4x128xf32>,
      %broadcast_in_dim3A_33 = arith.constant 0.000000e+00 : f32
      %broadcast_in_dim3A_34 = vector.broadcast %broadcast_in_dim3A_33 : f32 to vector<4x128xf32>
      %swap3A_35 = arith.constant 0 : index
      %swap3A_36 = arith.constant 0 : index
      %swap3A_37 = vector.load %arg3[%swap3A_35, %swap3A_36] : memref<4x128xf32, #tpu.memory_space<vmem>>, vector<4x128xf32>
      tpu.vector_store %arg3[%swap3A_35, %swap3A_36], %broadcast_in_dim3A_34 {strides = array<i32>} : memref<4x128xf32, #tpu.memory_space<vmem>>, vector<4x128xf32>,
    } else {
    }
    %get3A_14 = arith.constant 0 : index
    %get3A_15 = arith.constant 0 : index
    %get3A_16 = vector.load %arg2[%get3A_14, %get3A_15] : memref<4x128xf32, #tpu.memory_space<vmem>>, vector<4x128xf32>
    %add3A = arith.addf %get3A_16, %mul3A_11 : vector<4x128xf32>
    %swap3A = arith.constant 0 : index
    %swap3A_17 = arith.constant 0 : index
    %swap3A_18 = vector.load %arg2[%swap3A, %swap3A_17] : memref<4x128xf32, #tpu.memory_space<vmem>>, vector<4x128xf32>
    tpu.vector_store %arg2[%swap3A, %swap3A_17], %add3A {strides = array<i32>} : memref<4x128xf32, #tpu.memory_space<vmem>>, vector<4x128xf32>,
    %get3A_19 = arith.constant 0 : index
    %get3A_20 = arith.constant 0 : index
    %get3A_21 = vector.load %arg3[%get3A_19, %get3A_20] : memref<4x128xf32, #tpu.memory_space<vmem>>, vector<4x128xf32>
    %convert_element_type3A_22 = arith.extui %gt3A_6 : vector<4x128xi1> to vector<4x128xi32>
    %convert_element_type3A_23 = arith.sitofp %convert_element_type3A_22 : vector<4x128xi32> to vector<4x128xf32>
    %add3A_24 = arith.addf %get3A_21, %convert_element_type3A_23 : vector<4x128xf32>
    %swap3A_25 = arith.constant 0 : index
    %swap3A_26 = arith.constant 0 : index
    %swap3A_27 = vector.load %arg3[%swap3A_25, %swap3A_26] : memref<4x128xf32, #tpu.memory_space<vmem>>, vector<4x128xf32>
    tpu.vector_store %arg3[%swap3A_25, %swap3A_26], %add3A_24 {strides = array<i32>} : memref<4x128xf32, #tpu.memory_space<vmem>>, vector<4x128xf32>,
    return
  }
  func.func @transform_0(%arg0: i32) -> (i32, i32, i32) {
    %add3A = arith.constant 0 : i32
    %add3A_0 = arith.addi %arg0, %add3A : i32
    %c0_i32 = arith.constant 0 : i32
    %c0_i32_1 = arith.constant 0 : i32
    %c0_i32_2 = arith.constant 0 : i32
    return %c0_i32, %add3A_0, %c0_i32_1 : i32, i32, i32
  }
  func.func @transform_1(%arg0: i32) -> (i32, i32) {
    %c0_i32 = arith.constant 0 : i32
    %c0_i32_0 = arith.constant 0 : i32
    %c0_i32_1 = arith.constant 0 : i32
    return %c0_i32, %c0_i32_0 : i32, i32
  }
  func.func @transform_2(%arg0: i32) -> (i32, i32) {
    %c0_i32 = arith.constant 0 : i32
    %c0_i32_0 = arith.constant 0 : i32
    %c0_i32_1 = arith.constant 0 : i32
    return %c0_i32, %c0_i32_0 : i32, i32
  }
}

</mosaic_0001>

<sc_bundles>
// kernel: kernel.5.cloned.1.call-start
scs
__scs_entry_jumppad:
0x0: {  	(pc) =	sbr.rel $0x88, $3  }
0x1: {  	(tag) =	ssettag $0x0;
	lr =	simm.s32 $0x1  }
0x2: {  	[smem:$0x3FA0] =	sst lr;
	_ =	strace $0xD0000000  }
0x3: {  	_ = 	snop  }
0x4: {  	_ = 	snop  }
0x5: {  	_ = 	snop  }
0x6: {  	_ = 	snop  }
0x7: {  	_ = 	snop  }
__scs_overlays_trampoline_lowered:
0x8: {  	[smem:$0x3FAF] =	sst s0  }
0x9: {  	[smem:$0x3FB0] =	sst s1  }
0xa: {  	[smem:$0x3FB1] =	sst s2  }
0xb: {  	[smem:$0x3FB2] =	sst s3  }
0xc: {  	[smem:$0x3FB3] =	sst s4  }
0xd: {  	[smem:$0x3FB4] =	sst s5  }
0xe: {  	[smem:$0x3FB5] =	sst s6  }
0xf: {  	[smem:$0x3FB6] =	sst s7  }
0x10: {  	[smem:$0x3FB7] =	sst s8  }
0x11: {  	[smem:$0x3FB8] =	sst s9;
	s0 =	simm.s32 @!p0 $0x0  }
0x12: {  	s1 =	sld [smem:$0x3F9E];
	s0 =	simm.s32 @p0 $0x1  }
0x13: {  	[smem:$0x3FB9] =	sst s0;
	s0 =	simm.s32 @!p1 $0x0  }
0x14: {  	s2 =	sld [smem:$0x3F9D];
	s0 =	simm.s32 @p1 $0x1  }
0x15: {  	[smem:$0x3FBA] =	sst s0;
	s0 =	simm.s32 @!p2 $0x0  }
0x16: {  	s3 =	sld [smem:$0x3FDB];
	s0 =	simm.s32 @p2 $0x1  }
0x17: {  	s4 =	simm.s32 $0x1BF5;
	[smem:$0x3FBC] =	sst s0  }
0x18: {  	s0 =	sld [smem:$0x3F9F];
	_ =	swait.ge [sflag:s4], $0x0  }
0x19: {  	s7 =	sld [smem:$0x3FA0]  }
0x1a: {  	s8 =	sadd.s32 $0xFFFFE003, lr  }
0x1b: {  	s9 =	sadd.s32 $0xFFFFFEF7, lr;
	s5 =	simm.s32 $0xFFFFFFFF;
	p2 =	slt.u32 s8, $0xFFFFF086  }
0x1c: {  	p1 =	slt.u32 s9, $0xF7A;
	s5 =	simm.s32 @!p2 $0x0  }
0x1d: {  	s5 =	simm.s32 @p1 $0x1;
	p0 =	seq.s32 s7, s2  }
0x1e: {  	s7 =	smul.u32 @!p0 $0xF7A, s2;
	p2 =	seq.s32 @!p0 s5, $0x0  }
0x1f: {  	s9 =	smul.u32 $0xF7A, s1;
	s8 =	simm.s32 @!p0 $0x1BF5;
	p2 =	por !p2, p0  }
0x20: {  	[sflag:s8] =	ssyncset.s32 @!p0 $0xFFFFF086;
	s6 =	sadd.s32 @!p0 s3, s7;
	s7 =	simm.s32 @!p0 $0x108  }
0x21: {  	s3 =	sadd.s32 s3, s9;
	s6 =	sadd.s32 @!p0 $0x88, s6;
	s7 =	simm.s32 @p2 $0x1082  }
0x22: {  	[simem:s7], [sflag:s8] =	dma.local @!p0 [hbm:s6], $0xF7A  }
0x23: {  	s9 =	sor.u32 $0xD0000000, s2;
	s6 =	simm.s32 $0x108;
	_ =	swait.ge @!p0 [sflag:s8], $0x0  }
0x24: {  	s3 =	sadd.s32 $0x88, s3;
	s6 =	simm.s32 @!p1 $0x1082;
	[sflag:s4] =	ssyncset.s32 $0xFFFFF086  }
0x25: {  	[simem:s6], [sflag:s4] =	dma.local [hbm:s3], $0xF7A  }
0x26: {  	[smem:$0x3FA0] =	sst s1;
	(tag) =	ssettag s2;
	_ =	strace s9  }
0x27: {  	s1 =	sld [smem:$0x3FB0]  }
0x28: {  	s2 =	sld [smem:$0x3FB1]  }
0x29: {  	s4 =	sld [smem:$0x3FB3]  }
0x2a: {  	p0 =	seq.s32 s5, $0x0;
	s5 =	sld [smem:$0x3FB4]  }
0x2b: {  	s6 =	sld [smem:$0x3FB5]  }
0x2c: {  	s7 =	sld [smem:$0x3FB6]  }
0x2d: {  	s3 =	simm.s32 $0x108;
	s8 =	sld [smem:$0x3FB7]  }
0x2e: {  	s3 =	simm.s32 @!p0 $0x1082;
	s9 =	sld [smem:$0x3FB8]  }
0x2f: {  	lr =	sadd.s32 s0, s3;
	s0 =	sld [smem:$0x3FAF]  }
0x30: {  	s3 =	sld [smem:$0x3FB2]  }
0x31: {  	[smem:$0x3FBB] =	sst s10  }
0x32: {  	s10 =	sld [smem:$0x3FB9];
	_ =	sdelay $0x3  }
0x33: {  	p0 =	seq.s32 s10, $0x1;
	s10 =	sld [smem:$0x3FBB];
	_ =	sdelay $0x3  }
0x34: {  	[smem:$0x3FBB] =	sst s10  }
0x35: {  	s10 =	sld [smem:$0x3FBA];
	_ =	sdelay $0x3  }
0x36: {  	p1 =	seq.s32 s10, $0x1;
	s10 =	sld [smem:$0x3FBB];
	_ =	sdelay $0x3  }
0x37: {  	[smem:$0x3FBB] =	sst s10  }
0x38: {  	s10 =	sld [smem:$0x3FBC]  }
0x39: {  	_ = 	snop;
	(pc) =	sbr.ind lr, $3  }
0x3a: {  	_ = 	snop  }
0x3b: {  	_ = 	snop  }
0x3c: {  	p2 =	seq.s32 s10, $0x1;
	s10 =	sld [smem:$0x3FBB]  }
0x3d: {  	_ =	shalt  }
0x3e: {  	_ =	shalt  }
0x3f: {  	_ =	shalt  }
0x40: {  	_ =	shalt  }
0x41: {  	_ =	shalt  }
0x42: {  	_ =	shalt  }
0x43: {  	_ =	shalt  }
0x44: {  	_ =	shalt  }
0x45: {  	_ =	shalt  }
0x46: {  	_ =	shalt  }
0x47: {  	_ =	shalt  }
0x48: {  	_ =	shalt  }
0x49: {  	_ =	shalt  }
0x4a: {  	_ =	shalt  }
0x4b: {  	_ =	shalt  }
0x4c: {  	_ =	shalt  }
0x4d: {  	_ =	shalt  }
0x4e: {  	_ =	shalt  }
0x4f: {  	_ =	shalt  }
0x50: {  	_ =	shalt  }
0x51: {  	_ =	shalt  }
0x52: {  	_ =	shalt  }
0x53: {  	_ =	shalt  }
0x54: {  	_ =	shalt  }
0x55: {  	_ =	shalt  }
0x56: {  	_ =	shalt  }
0x57: {  	_ =	shalt  }
0x58: {  	_ =	shalt  }
0x59: {  	_ =	shalt  }
0x5a: {  	_ =	shalt  }
0x5b: {  	_ =	shalt  }
0x5c: {  	_ =	shalt  }
0x5d: {  	_ =	shalt  }
0x5e: {  	_ =	shalt  }
0x5f: {  	_ =	shalt  }
0x60: {  	_ =	shalt  }
0x61: {  	_ =	shalt  }
0x62: {  	_ =	shalt  }
0x63: {  	_ =	shalt  }
0x64: {  	_ =	shalt  }
0x65: {  	_ =	shalt  }
0x66: {  	_ =	shalt  }
0x67: {  	_ =	shalt  }
0x68: {  	_ =	shalt  }
0x69: {  	_ =	shalt  }
0x6a: {  	_ =	shalt  }
0x6b: {  	_ =	shalt  }
0x6c: {  	_ =	shalt  }
0x6d: {  	_ =	shalt  }
0x6e: {  	_ =	shalt  }
0x6f: {  	_ =	shalt  }
0x70: {  	_ =	shalt  }
0x71: {  	_ =	shalt  }
0x72: {  	_ =	shalt  }
0x73: {  	_ =	shalt  }
0x74: {  	_ =	shalt  }
0x75: {  	_ =	shalt  }
0x76: {  	_ =	shalt  }
0x77: {  	_ =	shalt  }
0x78: {  	_ =	shalt  }
0x79: {  	_ =	shalt  }
0x7a: {  	_ =	shalt  }
0x7b: {  	_ =	shalt  }
0x7c: {  	_ =	shalt  }
0x7d: {  	_ =	shalt  }
0x7e: {  	_ =	shalt  }
0x7f: {  	_ =	shalt  }
0x80: {  	_ =	shalt  }
0x81: {  	_ =	shalt  }
0x82: {  	_ =	shalt  }
0x83: {  	_ =	shalt  }
0x84: {  	_ =	shalt  }
0x85: {  	_ =	shalt  }
0x86: {  	_ =	shalt  }
0x87: {  	_ =	shalt  }
.Lfunc_end0:
.L_simem_size_0:
called_computation_lowered:
.L_overlay_start_0:
0x88: {  	s2 =	sld [smem:$0x3FD9]  }
0x89: {  	s3 =	sld [smem:$0x3FFE];
	_ =	sdelay $0x1  }
0x8a: {  	s1 =	srdreg.scid  }
0x8b: {  	s0 =	sand.u32 $0x1, s1  }
0x8c: {  	s17 =	sshll.u32 s0, $0xA;
	s2 =	sadd.s32 s3, s2  }
0x8d: {  	s2 =	sadd.s32 s2, s17  }
0x8e: {  	[smem:$0x3FC7] =	sst s2  }
0x8f: {  	_ = 	snop  }
0x90: {  	s2 =	sld [smem:$0x3FC9];
	(tm) =	ssettm $0x1  }
0x91: {  	s18 =	sld [smem:$0x3FFB];
	_ =	sdelay $0x3  }
0x92: {  	_ =	strace s18  }
0x93: {  	s3 =	sld [smem:$0x3FFC];
	_ =	sdelay $0x3  }
0x94: {  	_ =	strace s3  }
0x95: {  	s3 =	sld [smem:$0x3FFD];
	_ =	sdelay $0x3  }
0x96: {  	_ =	strace s3  }
0x97: {  	_ =	strace $0x8FFFFFFF  }
0x98: {  	s19 =	sld [smem:$0x3FDB];
	_ =	sdelay $0x1  }
0x99: {  	s4 =	simm.s32 $_scs_section_size  }
0x9a: {  	s5 =	simm.s32 $_size__tile_overlayer_lowered;
	s6 =	simm.s32 $_tile_overlayer_lowered  }
0x9b: {  	s22 =	simm.s32 $0x1BFF;
	s21 =	sshll.u32 s6, $0x1;
	s3 =	sadd.s32 s4, s19  }
0x9c: {  	s7 =	simm.s32 $0x0;
	s20 =	sshll.u32 s5, $0x1;
	s5 =	sadd.s32 s21, s3  }
0x9d: {  	[timem:s7], [sflag:s22] =	dma.local [hbm:s5], s20  }
0x9e: {  	_ =	swait.ge [sflag:s22], s20  }
0x9f: {  	s4 =	ssub.s32 $0x0, s20;
	[sflag:s22] =	ssyncset.done $0x0  }
0xa0: {  	[sflag:s22] =	ssyncadd.s32 s4;
	_ =	sdelay $0x1  }
0xa1: {  	s23 =	simm.s32 $0x1B8B  }
0xa2: {  	_ =	swait.ge [sflag:s23], $0x1  }
0xa3: {  	[sflag:s23] =	ssyncset.done $0x0  }
0xa4: {  	s25 =	simm.s32 $0x1B8E;
	s24 =	sld [smem:$0x3FFE];
	[sflag:s23] =	ssyncadd.s32 $0xFFFFFFFF  }
0xa5: {  	s26 =	simm.s32 $execute0_lowered;
	[smem:$0x3FD2] =	sst s25  }
0xa6: {  	s5 =	sshll.u32 s26, $0x1;
	_ =	strace $0x80000046;
	[dreg:$0x1] =	wrdreg $0xFFFFFFFF  }
0xa7: {  	s28 =	simm.s32 $_size_execute0_lowered;
	s3 =	sadd.s32 s3, s5;
	[dreg:$0x0] =	wrdreg $0x0  }
0xa8: {  	s5 =	sshll.u32 s28, $0x1;
	[dreg:$0x2] =	wrdreg s3  }
0xa9: {  	[dreg:$0x3] =	wrdreg s5  }
0xaa: {  	[dreg:$0x4] =	wrdreg $0xC0  }
0xab: {  	_ =	task [dreg:s7], $0x5FFFF  }
0xac: {  	[dreg:$0x1] =	wrdreg $0xFFFFFFFF  }
0xad: {  	[dreg:$0x0] =	wrdreg $0x60  }
0xae: {  	[dreg:$0x2] =	wrdreg s2  }
0xaf: {  	[dreg:$0x3] =	wrdreg s24  }
0xb0: {  	[dreg:$0x4] =	wrdreg $0x9  }
0xb1: {  	_ =	task.clear_ibuf [dreg:s7], $0x5FFFF;
	_ =	strace $0x90000046  }
0xb2: {  	s29 =	simm.s32 $0x9;
	_ =	strace $0x80000048  }
0xb3: {  	_ =	swait.ge [sflag:s29], $0x1  }
0xb4: {  	[sflag:s29] =	ssyncadd.s32 $0xFFFFFFFF  }
0xb5: {  	_ =	strace $0x90000048  }
0xb6: {  	_ =	sfence  }
0xb7: {  	s30 =	sld [smem:$0x0];
	_ =	sdelay $0x2  }
0xb8: {  	s31 =	sshll.u32 s1, $0xD;
	s1 =	sshrl.u32 s1, $0x2  }
0xb9: {  	s3 =	sand.u32 $0x4000, s31;
	s1 =	sadd.s32 s1, s30  }
0xba: {  	s0 =	sor.u32 s3, s0;
	s1 =	sshll.u32 s1, $0x11  }
0xbb: {  	s0 =	sor.u32 s1, s0  }
0xbc: {  	s0 =	sadd.s32 $0x8F2B, s0  }
0xbd: {  	[sflag:s0] =	ssyncadd.remote.s32 $0x1  }
0xbe: {  	_ =	sfence.sel $0xFFFF  }
0xbf: {  	[dreg:$0x0] =	wrdreg $0xFFFFFFFF;
	(pc) =	sbr.abs _section_cstart, $3  }
0xc0: {  	[dreg:$0x1] =	wrdreg $0xFFFFFFFF  }
0xc1: {  	_ =	task.clear_ibuf [dreg:s7], $0x2FFFF;
	_ =	strace $0x9FFFFFFF  }
0xc2: {  	(tm) =	ssettm $0x7FFFFFFF  }
0xc3: {  	_ =	shalt  }
tec
execute0_lowered:
.L_overlay_start_1:
0x0: {  	(tag) =	ssettag $0x1  }
0x1: {  	s3 =	rddreg [dreg:$0x0]  }
0x2: {  	s4 =	rddreg [dreg:$0x1];
	s2 =	simm.s32 $0x0  }
0x3: {  	s5 =	srdreg.scid;
	s0 =	stileid.u32;
	s10 =	simm.s32 $0x1000  }
0x4: {  	s11 =	simm.s32 $0x3;
	s12 =	simm.s32 $0x10080;
	s13 =	simm.s32 $0x0  }
0x5: {  	[smem:$0x7FF] =	sst s2;
	s5 =	sand.u32 $0x1, s5;
	s7 =	sshll.u32 s0, $0xE  }
0x6: {  	s30 =	sshll.u32 s0, $0x2;
	s31 =	sshll.u32 s0, $0x1;
	_ =	strace $0x80000047  }
0x7: {  	vm0 =	vmmov $0x1;
	v0 =	vimm.s32 $0x0;
	s6 =	ssub.s32 $0x2, s5;
	s8 =	sshll.u32 s5, $0xD;
	p0 =	seq.s32 s5, $0x1  }
0x8: {  	vm1 =	vmmov $0x3;
	vm2 =	vmmov $0x7;
	vm3 =	vmmov $0xf;
	s5 =	sand.u32 $0x20, s30;
	s9 =	sshrl.u32 s6, $0x1;
	s7 =	sor.u32 s8, s7  }
0x9: {  	vm4 =	vmmov $0x1f;
	vm5 =	vmmov $0x3f;
	vm6 =	vmmov $0x7f;
	s8 =	sand.u32 $0xE, s31;
	s10 =	simm.s32 @!p0 $0xE00;
	s7 =	sadd.s32 s7, s3  }
0xa: {  	vm7 =	vmmov $0xff;
	vm8 =	vmmov $0x1ff;
	vm9 =	vmmov $0x3ff;
	s5 =	sor.u32 s8, s5;
	s4 =	sadd.s32 s10, s4;
	s6 =	ssub.s32 s6, s9  }
0xb: {  	vm10 =	vmmov $0x7ff;
	vm11 =	vmmov $0xfff;
	v0 =	vsel vm0, $0xFFFFFFFF, v0;
	s9 =	simm.s32 $0x2;
	s3 =	sadd.s32 $0xC0000, s7;
	s4 =	sadd.s32 s4, s5  }
0xc: {  	vm12 =	vmmov $0x1fff;
	vm13 =	vmmov $0x3fff;
	vm14 =	vmmov $0x7fff;
	[tilespmem:$0x1FFF0] =	vst v0;
	s5 =	sadd.s32 $0xC1000, s7;
	s6 =	smax.u32 s6, $0x1;
	s7 =	sadd.s32 $0x10, s4  }
.LBB2_1:
0xd: {  	[tilespmem:s2], [sflag:$0x1] =	stream.linear.gather [hbm4b:s3+s2], $0x8000, $0x38;
	[tilespmem:$0x10100] =	vst v63  }
0xe: {  	s0 =	simm.s32 $0x8000;
	s14 =	simm.s32 $0x1  }
0xf: {  	[tilespmem:s0], [sflag:$0x2] =	stream.linear.gather [hbm4b:s5+s2], $0x8000, $0x38;
	[tilespmem:$0x10100] =	vst v63  }
0x10: {  	_ =	swait.ge [sflag:s14], $0x8000  }
0x11: {  	[sflag:s14] =	ssyncset.done $0x0  }
0x12: {  	[sflag:s14] =	ssyncadd.s32 $0xFFFF8000  }
0x13: {  	v2 =	vld [tilespmem:$0x0]  }
0x14: {  	v4 =	vld [tilespmem:$0x10]  }
0x15: {  	v5 =	vld [tilespmem:$0x80]  }
0x16: {  	v6 =	vld [tilespmem:$0x90]  }
0x17: {  	v11 =	vld [tilespmem:$0x100]  }
0x18: {  	v12 =	vld [tilespmem:$0x110]  }
0x19: {  	v14 =	vld [tilespmem:$0x180]  }
0x1a: {  	v17 =	vld [tilespmem:$0x190]  }
0x1b: {  	v18 =	vld [tilespmem:$0x200]  }
0x1c: {  	v21 =	vld [tilespmem:$0x210]  }
0x1d: {  	v25 =	vld [tilespmem:$0x280]  }
0x1e: {  	v26 =	vld [tilespmem:$0x290]  }
0x1f: {  	v28 =	vld [tilespmem:$0x300]  }
0x20: {  	v32 =	vld [tilespmem:$0x310]  }
0x21: {  	v33 =	vld [tilespmem:$0x380]  }
0x22: {  	v35 =	vld [tilespmem:$0x390]  }
0x23: {  	v38 =	vld [tilespmem:$0x4000]  }
0x24: {  	v39 =	vld [tilespmem:$0x4010]  }
0x25: {  	v40 =	vld [tilespmem:$0x4080]  }
0x26: {  	v41 =	vld [tilespmem:$0x4090]  }
0x27: {  	v42 =	vld [tilespmem:$0x4100]  }
0x28: {  	v43 =	vld [tilespmem:$0x4110]  }
0x29: {  	v44 =	vld [tilespmem:$0x4180]  }
0x2a: {  	v50 =	vld [tilespmem:$0x4190]  }
0x2b: {  	v51 =	vld [tilespmem:$0x4200]  }
0x2c: {  	v52 =	vld [tilespmem:$0x4210]  }
0x2d: {  	v53 =	vld [tilespmem:$0x4280]  }
0x2e: {  	v54 =	vld [tilespmem:$0x4290]  }
0x2f: {  	v55 =	vld [tilespmem:$0x4300]  }
0x30: {  	s15 =	simm.s32 $0x20;
	s16 =	simm.s32 $0x100;
	v56 =	vld [tilespmem:$0x4310]  }
0x31: {  	s15 =	sand.u32 $0x60, s15;
	s17 =	sand.u32 $0x3C00, s16;
	v57 =	vld [tilespmem:$0x4380]  }
0x32: {  	s19 =	sor.u32 s15, s17;
	v58 =	vld [tilespmem:$0x4390]  }
0x33: {  	v59 =	vld [tilespmem:s19+$0x0]  }
0x34: {  	v10 =	vld [tilespmem:s19+$0x80]  }
0x35: {  	v20 =	vld [tilespmem:s19+$0x100]  }
0x36: {  	v23 =	vld [tilespmem:s19+$0x180]  }
0x37: {  	s18 =	sor.u32 $0x10, s15;
	v8 =	vld [tilespmem:s19+$0x200]  }
0x38: {  	s26 =	sor.u32 s18, s17;
	v16 =	vld [tilespmem:s19+$0x280]  }
0x39: {  	v31 =	vld [tilespmem:s26+$0x0]  }
0x3a: {  	v34 =	vld [tilespmem:s26+$0x80]  }
0x3b: {  	v36 =	vld [tilespmem:s26+$0x100]  }
0x3c: {  	v37 =	vld [tilespmem:s26+$0x180]  }
0x3d: {  	s20 =	sor.u32 $0x4000, s17;
	v22 =	vld [tilespmem:s26+$0x200]  }
0x3e: {  	s23 =	sor.u32 $0x4080, s17;
	s28 =	sor.u32 s18, s20;
	v27 =	vld [tilespmem:s26+$0x280]  }
0x3f: {  	s24 =	sor.u32 $0x4100, s17;
	s29 =	sor.u32 s18, s23;
	v9 =	vld [tilespmem:s28+$0x0]  }
0x40: {  	s25 =	sor.u32 $0x4180, s17;
	s30 =	sor.u32 s18, s24;
	v15 =	vld [tilespmem:s29+$0x0]  }
0x41: {  	s21 =	sor.u32 $0x4280, s17;
	s31 =	sor.u32 s18, s25;
	v3 =	vld [tilespmem:s30+$0x0]  }
0x42: {  	s22 =	sor.u32 $0x4300, s17;
	s1 =	sor.u32 s18, s21;
	v13 =	vld [tilespmem:s31+$0x0]  }
0x43: {  	s8 =	sor.u32 s18, s22;
	v1 =	vld [tilespmem:s1+$0x0]  }
0x44: {  	s20 =	sor.u32 s15, s20;
	v7 =	vld [tilespmem:s8+$0x0]  }
0x45: {  	s23 =	sor.u32 s15, s23;
	v45 =	vld [tilespmem:s20+$0x0]  }
0x46: {  	s10 =	sand.u32 $0x3, s14;
	s24 =	sor.u32 s15, s24;
	v47 =	vld [tilespmem:s23+$0x0]  }
0x47: {  	s26 =	sor.u32 $0x4200, s17;
	s19 =	sshll.u32 s10, $0x5;
	v46 =	vld [tilespmem:s24+$0x0];
	s28 =	sor.u32 s15, s25;
	v60 =	vmax.f32 v2, v4;
	v24 =	vmax.f32 v5, v6  }
0x48: {  	s0 =	sor.u32 s18, s26;
	s19 =	sadd.s32 $0x0, s19;
	v48 =	vld [tilespmem:s28+$0x0];
	v29 =	vmax.f32 v11, v12;
	v30 =	vmax.f32 v14, v17;
	v21 =	vmax.f32 v18, v21  }
0x49: {  	s30 =	sor.u32 s15, s26;
	v19 =	vld [tilespmem:s0+$0x0];
	s29 =	sadd.s32 $0x100, s19;
	v25 =	vmax.f32 v25, v26;
	v26 =	vmax.f32 v28, v32;
	v14 =	vmax.f32 v33, v35  }
0x4a: {  	v49 =	vld [tilespmem:s30+$0x0];
	s23 =	sadd.s32 $0x110, s19;
	s31 =	sor.u32 $0x300, s29;
	v17 =	vmax.f32 v38, v39;
	v18 =	vmax.f32 v40, v41;
	v6 =	vmax.f32 v42, v43  }
0x4b: {  	s19 =	sor.u32 $0x300, s23;
	v11 =	vmax.f32 v44, v50;
	v12 =	vmax.f32 v51, v52;
	v2 =	vmax.f32 v53, v54;
	v51 =	vld [tilespmem:s31+$0x0]  }
0x4c: {  	s20 =	simm.s32 $0x0;
	s24 =	sor.u32 $0x380, s29;
	v4 =	vmax.f32 v55, v56;
	v5 =	vmax.f32 v57, v58;
	v50 =	vld [tilespmem:s19+$0x0];
	s19 =	simm.s32 $0x40;
	v39 =	vmax.f32 v60, v59  }
.LBB2_2:
0x4d: {  	p0 =	sne.s32 s19, $0x7E0;
	v32 =	vld [tilespmem:s24+$0x0];
	v28 =	vmax.f32 v39, v31;
	s23 =	sor.u32 $0x380, s23  }
0x4e: {  	v10 =	vmax.f32 v24, v10;
	v20 =	vmax.f32 v29, v20;
	v23 =	vmax.f32 v30, v23;
	s21 =	sor.u32 s15, s21;
	v31 =	vld [tilespmem:s23+$0x0]  }
0x4f: {  	v24 =	vmax.f32 v10, v34;
	v29 =	vmax.f32 v20, v36;
	v30 =	vmax.f32 v23, v37;
	v33 =	vld [tilespmem:s21+$0x0];
	s21 =	sor.u32 s15, s22;
	s22 =	sor.u32 $0x4380, s17  }
0x50: {  	v8 =	vmax.f32 v21, v8;
	s16 =	sadd.s32 $0x100, s16;
	v10 =	vmax.f32 v25, v16;
	v16 =	vmax.f32 v26, v51;
	v34 =	vld [tilespmem:s21+$0x0];
	s21 =	sor.u32 s15, s22  }
0x51: {  	v21 =	vmax.f32 v8, v22;
	s17 =	sand.u32 $0x3C00, s16;
	v25 =	vmax.f32 v10, v27;
	s15 =	sand.u32 $0x60, s19;
	s18 =	sor.u32 s18, s22;
	v35 =	vld [tilespmem:s21+$0x0];
	v26 =	vmax.f32 v16, v50  }
0x52: {  	v10 =	vmax.f32 v17, v45;
	s21 =	sor.u32 s15, s17;
	v16 =	vmax.f32 v18, v47;
	v8 =	vmax.f32 v14, v32;
	v22 =	vld [tilespmem:s18+$0x0]  }
0x53: {  	v17 =	vmax.f32 v10, v9;
	v18 =	vmax.f32 v16, v15;
	v32 =	vld [tilespmem:s21+$0x0];
	v14 =	vmax.f32 v8, v31  }
0x54: {  	v6 =	vmax.f32 v6, v46;
	v9 =	vmax.f32 v12, v49;
	v8 =	vmax.f32 v11, v48;
	v10 =	vld [tilespmem:s21+$0x80]  }
0x55: {  	v6 =	vmax.f32 v6, v3;
	v12 =	vmax.f32 v9, v19;
	v11 =	vmax.f32 v8, v13;
	v20 =	vld [tilespmem:s21+$0x100]  }
0x56: {  	v2 =	vmax.f32 v2, v33;
	v3 =	vmax.f32 v4, v34;
	v23 =	vld [tilespmem:s21+$0x180];
	v5 =	vmax.f32 v5, v35  }
0x57: {  	s18 =	sor.u32 $0x10, s15;
	v2 =	vmax.f32 v2, v1;
	v4 =	vmax.f32 v3, v7;
	v8 =	vld [tilespmem:s21+$0x200];
	v5 =	vmax.f32 v5, v22  }
0x58: {  	v16 =	vld [tilespmem:s21+$0x280];
	s21 =	sor.u32 s18, s17  }
0x59: {  	v31 =	vld [tilespmem:s21+$0x0]  }
0x5a: {  	v34 =	vld [tilespmem:s21+$0x80]  }
0x5b: {  	v36 =	vld [tilespmem:s21+$0x100]  }
0x5c: {  	v37 =	vld [tilespmem:s21+$0x180]  }
0x5d: {  	s23 =	sor.u32 $0x4000, s17;
	v22 =	vld [tilespmem:s21+$0x200]  }
0x5e: {  	s24 =	sor.u32 $0x4080, s17;
	v27 =	vld [tilespmem:s21+$0x280];
	s21 =	sor.u32 s18, s23  }
0x5f: {  	s25 =	sor.u32 $0x4100, s17;
	v9 =	vld [tilespmem:s21+$0x0];
	s21 =	sor.u32 s18, s24  }
0x60: {  	s26 =	sor.u32 $0x4180, s17;
	v15 =	vld [tilespmem:s21+$0x0];
	s21 =	sor.u32 s18, s25  }
0x61: {  	s28 =	sor.u32 $0x4200, s17;
	s22 =	sor.u32 s18, s26;
	v3 =	vld [tilespmem:s21+$0x0]  }
0x62: {  	s29 =	sor.u32 s18, s28;
	s21 =	sor.u32 $0x4280, s17;
	v13 =	vld [tilespmem:s22+$0x0]  }
0x63: {  	s22 =	sor.u32 $0x4300, s17;
	v19 =	vld [tilespmem:s29+$0x0];
	s29 =	sor.u32 s18, s21  }
0x64: {  	v1 =	vld [tilespmem:s29+$0x0];
	s29 =	sor.u32 s18, s22  }
0x65: {  	s14 =	sadd.s32 $0x1, s14;
	s23 =	sor.u32 s15, s23;
	v7 =	vld [tilespmem:s29+$0x0]  }
0x66: {  	s29 =	sand.u32 $0x3, s14;
	v45 =	vld [tilespmem:s23+$0x0];
	s23 =	sor.u32 s15, s24  }
0x67: {  	s20 =	sadd.s32 $0x100, s20;
	s24 =	sshll.u32 s29, $0x5;
	v47 =	vld [tilespmem:s23+$0x0];
	s23 =	sor.u32 s15, s25  }
.Ltmp0:
0x68: {  	s24 =	sadd.s32 s24, s20;
	v46 =	vld [tilespmem:s23+$0x0];
	s23 =	sor.u32 s15, s26;
	(pc) =	sbr.rel @p0 .LBB2_2-.Ltmp0, $4  }
0x69: {  	s25 =	sadd.s32 $0x100, s24;
	v48 =	vld [tilespmem:s23+$0x0];
	s23 =	sor.u32 s15, s28  }
0x6a: {  	s26 =	sor.u32 $0x300, s25;
	v49 =	vld [tilespmem:s23+$0x0];
	s23 =	sadd.s32 $0x110, s24  }
0x6b: {  	v51 =	vld [tilespmem:s26+$0x0];
	s26 =	sor.u32 $0x300, s23  }
0x6c: {  	s19 =	sadd.s32 $0x20, s19;
	v39 =	vmax.f32 v28, v32;
	s24 =	sor.u32 $0x380, s25;
	v50 =	vld [tilespmem:s26+$0x0]  }
0x6d: {  	s16 =	sor.u32 s15, s21  }
0x6e: {  	v0 =	vld [tilespmem:s16+$0x0];
	_ =	sdelay $0x3  }
0x6f: {  	s8 =	sor.u32 s15, s22  }
0x70: {  	[tilespmem:$0x1FE40] =	vst v0;
	v0 =	vld [tilespmem:s8+$0x0];
	_ =	sdelay $0x2  }
0x71: {  	s10 =	sor.u32 $0x4380, s17  }
0x72: {  	s17 =	sor.u32 s15, s10  }
0x73: {  	[tilespmem:$0x1FE50] =	vst v0;
	v0 =	vld [tilespmem:s17+$0x0];
	_ =	sdelay $0x3  }
0x74: {  	s19 =	sor.u32 s18, s10  }
0x75: {  	[tilespmem:$0x1FE60] =	vst v0;
	v0 =	vld [tilespmem:s19+$0x0];
	_ =	sdelay $0x4  }
0x76: {  	v52 =	vld [tilespmem:s24+$0x0];
	s14 =	sor.u32 $0x380, s23;
	[tilespmem:$0x1FE80] =	vst v0  }
0x77: {  	v53 =	vld [tilespmem:s14+$0x0];
	_ =	swait.ge [sflag:s9], $0x8000  }
0x78: {  	[sflag:s9] =	ssyncset.done $0x0  }
0x79: {  	[sflag:s9] =	ssyncadd.s32 $0xFFFF8000  }
0x7a: {  	v0 =	vld [tilespmem:$0x8000];
	_ =	sdelay $0x4  }
0x7b: {  	[tilespmem:$0x1FEA0] =	vst v0;
	v0 =	vld [tilespmem:$0x8010];
	_ =	sdelay $0x4  }
0x7c: {  	[tilespmem:$0x1FEB0] =	vst v0;
	v0 =	vld [tilespmem:$0x8080];
	_ =	sdelay $0x4  }
0x7d: {  	[tilespmem:$0x1FEC0] =	vst v0;
	v0 =	vld [tilespmem:$0x8090];
	_ =	sdelay $0x4  }
0x7e: {  	[tilespmem:$0x1FED0] =	vst v0;
	v0 =	vld [tilespmem:$0x8100];
	_ =	sdelay $0x4  }
0x7f: {  	[tilespmem:$0x1FEE0] =	vst v0;
	v0 =	vld [tilespmem:$0x8180];
	_ =	sdelay $0x3  }
0x80: {  	v8 =	vmax.f32 v21, v8;
	v16 =	vmax.f32 v25, v16  }
0x81: {  	v18 =	vmax.f32 v18, v47;
	v6 =	vmax.f32 v6, v46;
	v21 =	vmax.f32 v8, v22;
	[tilespmem:$0x1FEF0] =	vst v0;
	v0 =	vld [tilespmem:$0x8190]  }
0x82: {  	v22 =	vmax.f32 v16, v27;
	v11 =	vmax.f32 v11, v48;
	v25 =	vmax.f32 v26, v51  }
0x83: {  	v16 =	vmax.f32 v25, v50;
	v25 =	vmax.f32 v17, v45;
	v14 =	vmax.f32 v14, v52  }
0x84: {  	v17 =	vmax.f32 v14, v53;
	v14 =	vmax.f32 v25, v9;
	v9 =	vmax.f32 v18, v15  }
0x85: {  	v15 =	vmax.f32 v12, v49;
	v12 =	vmax.f32 v6, v3;
	v6 =	vmax.f32 v11, v13;
	v11 =	vld [tilespmem:$0x1FE40]  }
0x86: {  	[tilespmem:$0x1FF00] =	vst v0;
	v0 =	vld [tilespmem:$0x8200]  }
0x87: {  	v55 =	vld [tilespmem:$0x8110]  }
0x88: {  	v62 =	vld [tilespmem:$0xC010]  }
0x89: {  	v60 =	vld [tilespmem:$0xC110]  }
0x8a: {  	v61 =	vld [tilespmem:$0xC180]  }
0x8b: {  	[tilespmem:$0x1FF10] =	vst v0;
	v0 =	vld [tilespmem:$0x8210]  }
0x8c: {  	v59 =	vld [tilespmem:$0xC190]  }
0x8d: {  	v63 =	vld [tilespmem:$0xC210]  }
0x8e: {  	v2 =	vmax.f32 v2, v11;
	v11 =	vld [tilespmem:$0x1FE50]  }
0x8f: {  	v57 =	vld [tilespmem:$0xC290]  }
0x90: {  	s20 =	simm.s32 $0x20;
	s21 =	simm.s32 $0x100;
	[tilespmem:$0x1FF20] =	vst v0;
	v0 =	vld [tilespmem:$0x8280]  }
0x91: {  	s15 =	sand.u32 $0x60, s20;
	s16 =	sand.u32 $0x3C00, s21;
	v58 =	vld [tilespmem:$0xC300]  }
0x92: {  	s0 =	sor.u32 $0x8000, s16;
	s14 =	sor.u32 $0x10, s15;
	v56 =	vld [tilespmem:$0xC310]  }
0x93: {  	s22 =	sor.u32 s14, s0;
	v11 =	vmax.f32 v4, v11;
	v4 =	vld [tilespmem:$0x1FE60]  }
0x94: {  	s31 =	sor.u32 $0x8080, s16;
	v54 =	vld [tilespmem:s22+$0x0]  }
0x95: {  	s30 =	sor.u32 $0x8100, s16;
	s23 =	sor.u32 s14, s31;
	[tilespmem:$0x1FF30] =	vst v0;
	v0 =	vld [tilespmem:$0x8290]  }
0x96: {  	s24 =	sor.u32 s14, s30;
	v33 =	vld [tilespmem:s23+$0x0]  }
0x97: {  	v40 =	vld [tilespmem:s24+$0x0]  }
0x98: {  	v5 =	vmax.f32 v5, v4;
	v4 =	vmax.f32 v2, v1;
	v1 =	vmax.f32 v11, v7;
	v7 =	vld [tilespmem:$0x1FEF0]  }
0x99: {  	s29 =	sor.u32 $0x8180, s16;
	v11 =	vld [tilespmem:$0x1FF00]  }
0x9a: {  	s28 =	sor.u32 $0x8200, s16;
	s25 =	sor.u32 s14, s29;
	[tilespmem:$0x1FF40] =	vst v0;
	v0 =	vld [tilespmem:$0x8300]  }
0x9b: {  	s26 =	sor.u32 $0x8280, s16;
	s1 =	sor.u32 s14, s28;
	v43 =	vld [tilespmem:s25+$0x0]  }
0x9c: {  	v10 =	vmax.f32 v24, v10;
	s8 =	sor.u32 s14, s26;
	v38 =	vld [tilespmem:s1+$0x0]  }
0x9d: {  	v24 =	vmax.f32 v29, v20;
	v10 =	vmax.f32 v10, v34;
	v42 =	vld [tilespmem:s8+$0x0]  }
0x9e: {  	[tilespmem:$0x1FE20] =	vst v10;
	v10 =	vmax.f32 v24, v36;
	v24 =	vmax.f32 v7, v11;
	v7 =	vld [tilespmem:$0x1FF10]  }
0x9f: {  	[tilespmem:$0x1FF50] =	vst v0;
	v0 =	vld [tilespmem:$0x8310]  }
0xa0: {  	v29 =	vmax.f32 v30, v23;
	v11 =	vld [tilespmem:$0x1FF20]  }
0xa1: {  	v29 =	vmax.f32 v29, v37;
	s21 =	sor.u32 $0xC100, s16;
	s0 =	sor.u32 s15, s0;
	v37 =	vld [tilespmem:$0xC390]  }
0xa2: {  	s8 =	sor.u32 s14, s21;
	v45 =	vld [tilespmem:s0+$0x0]  }
0xa3: {  	v28 =	vld [tilespmem:s8+$0x0]  }
0xa4: {  	[tilespmem:$0x1FF60] =	vst v0;
	v0 =	vld [tilespmem:$0x8380]  }
0xa5: {  	s25 =	sor.u32 $0x8300, s16;
	v30 =	vmax.f32 v7, v11;
	v7 =	vld [tilespmem:$0x1FF30]  }
0xa6: {  	s24 =	sor.u32 $0x8380, s16;
	s10 =	sor.u32 s14, s25;
	v11 =	vld [tilespmem:$0x1FF40]  }
0xa7: {  	s19 =	sor.u32 s14, s24;
	v44 =	vld [tilespmem:s10+$0x0]  }
0xa8: {  	s23 =	sor.u32 $0xC000, s16;
	v32 =	vld [tilespmem:s19+$0x0]  }
0xa9: {  	s20 =	sor.u32 s14, s23;
	[tilespmem:$0x1FF70] =	vst v0;
	v0 =	vld [tilespmem:$0x8390]  }
0xaa: {  	v35 =	vld [tilespmem:s20+$0x0]  }
0xab: {  	s22 =	sor.u32 $0xC080, s16;
	v34 =	vmax.f32 v7, v11;
	v7 =	vld [tilespmem:$0x1FF50]  }
0xac: {  	s1 =	sor.u32 s14, s22;
	v11 =	vld [tilespmem:$0x1FF60]  }
0xad: {  	s18 =	sor.u32 $0xC280, s16;
	v41 =	vld [tilespmem:s1+$0x0]  }
0xae: {  	s8 =	sor.u32 s14, s18;
	[tilespmem:$0x1FF80] =	vst v0;
	v0 =	vld [tilespmem:$0xC000]  }
0xaf: {  	[tilespmem:$0x1FE30] =	vst v10;
	v10 =	vld [tilespmem:s8+$0x0];
	s8 =	sor.u32 s15, s31  }
0xb0: {  	v31 =	vmax.f32 v39, v31;
	v39 =	vld [tilespmem:s8+$0x0]  }
0xb1: {  	v36 =	vmax.f32 v7, v11;
	v7 =	vld [tilespmem:$0x1FF70]  }
0xb2: {  	v11 =	vld [tilespmem:$0x1FF80]  }
0xb3: {  	s31 =	sor.u32 s15, s28;
	[tilespmem:$0x1FF90] =	vst v0;
	v0 =	vld [tilespmem:$0xC080]  }
0xb4: {  	s20 =	sor.u32 $0xC180, s16;
	s28 =	sor.u32 s15, s22;
	v51 =	vld [tilespmem:s31+$0x0]  }
0xb5: {  	s1 =	sor.u32 s14, s20;
	v52 =	vld [tilespmem:s28+$0x0]  }
0xb6: {  	[tilespmem:$0x1FE10] =	vst v31;
	v31 =	vld [tilespmem:s1+$0x0]  }
0xb7: {  	v25 =	vmax.f32 v7, v11;
	v7 =	vld [tilespmem:$0x1FF90]  }
0xb8: {  	s19 =	sor.u32 $0xC200, s16;
	[tilespmem:$0x1FFA0] =	vst v0;
	v0 =	vld [tilespmem:$0xC090]  }
0xb9: {  	s10 =	sor.u32 s14, s19;
	[tilespmem:$0x1FE70] =	vst v1;
	v1 =	vld [tilespmem:$0x1FE80]  }
0xba: {  	v20 =	vld [tilespmem:s10+$0x0]  }
0xbb: {  	v2 =	vld [tilespmem:$0x1FEB0]  }
0xbc: {  	v26 =	vmax.f32 v7, v62;
	v7 =	vld [tilespmem:$0x1FFA0]  }
0xbd: {  	[tilespmem:$0x1FFB0] =	vst v0;
	v0 =	vld [tilespmem:$0xC100]  }
0xbe: {  	v1 =	vmax.f32 v5, v1;
	v11 =	vld [tilespmem:$0x1FFB0]  }
0xbf: {  	s8 =	sor.u32 s15, s26;
	[tilespmem:$0x1FE90] =	vst v1;
	v1 =	vld [tilespmem:$0x1FEA0]  }
0xc0: {  	s26 =	sor.u32 s15, s23;
	v53 =	vld [tilespmem:s8+$0x0]  }
0xc1: {  	v50 =	vld [tilespmem:s26+$0x0]  }
0xc2: {  	[tilespmem:$0x1FFC0] =	vst v0;
	v0 =	vld [tilespmem:$0xC200]  }
0xc3: {  	v27 =	vmax.f32 v7, v11;
	v7 =	vld [tilespmem:$0x1FFC0]  }
0xc4: {  	s17 =	sor.u32 $0xC300, s16;
	v5 =	vmax.f32 v1, v2;
	v1 =	vld [tilespmem:$0x1FEC0]  }
0xc5: {  	s10 =	sor.u32 s14, s17;
	v2 =	vld [tilespmem:$0x1FED0]  }
0xc6: {  	v8 =	vld [tilespmem:s10+$0x0]  }
0xc7: {  	[tilespmem:$0x1FFD0] =	vst v0;
	v0 =	vld [tilespmem:$0xC280]  }
0xc8: {  	s10 =	sor.u32 s15, s30;
	v13 =	vmax.f32 v7, v60;
	v7 =	vld [tilespmem:$0x1FFD0]  }
0xc9: {  	v46 =	vld [tilespmem:s10+$0x0]  }
0xca: {  	s30 =	sor.u32 s15, s29;
	v1 =	vmax.f32 v1, v2;
	v2 =	vld [tilespmem:$0x1FEE0]  }
0xcb: {  	v23 =	vld [tilespmem:s30+$0x0]  }
0xcc: {  	[tilespmem:$0x1FFE0] =	vst v0;
	v0 =	vld [tilespmem:$0xC380]  }
0xcd: {  	s29 =	sor.u32 s15, s21;
	v18 =	vmax.f32 v7, v63;
	v7 =	vld [tilespmem:$0x1FFE0]  }
0xce: {  	s10 =	sor.u32 s15, s25;
	v47 =	vld [tilespmem:s29+$0x0]  }
0xcf: {  	v3 =	vmax.f32 v15, v19;
	s25 =	sor.u32 s15, s24;
	v19 =	vmax.f32 v5, v45;
	v2 =	vmax.f32 v2, v55;
	v55 =	vld [tilespmem:s10+$0x0]  }
0xd0: {  	v15 =	vmax.f32 v61, v59;
	s30 =	sor.u32 s15, s20;
	v48 =	vld [tilespmem:s25+$0x0];
	v19 =	vmax.f32 v19, v54  }
0xd1: {  	s31 =	sor.u32 s15, s19;
	v49 =	vld [tilespmem:s30+$0x0];
	v45 =	vmax.f32 v2, v46;
	v46 =	vmax.f32 v24, v23;
	v5 =	vmax.f32 v0, v37  }
0xd2: {  	s19 =	simm.s32 $0x40;
	s20 =	sor.u32 s15, s18;
	s18 =	simm.s32 $0x200;
	v54 =	vld [tilespmem:s31+$0x0];
	v37 =	vmax.f32 v1, v39;
	v11 =	vmax.f32 v7, v57;
	v7 =	vmax.f32 v58, v56  }
.LBB2_4:
0xd3: {  	p0 =	sne.s32 s19, $0x7E0;
	v0 =	vld [tilespmem:s20+$0x0];
	s0 =	sor.u32 s15, s17;
	s1 =	sor.u32 $0xC380, s16;
	v37 =	vmax.f32 v37, v33;
	v45 =	vmax.f32 v45, v40;
	v46 =	vmax.f32 v46, v43  }
0xd4: {  	s16 =	sand.u32 $0x3C00, s18;
	v1 =	vmax.f32 v30, v51;
	v2 =	vmax.f32 v34, v53;
	v23 =	vmax.f32 v36, v55;
	v24 =	vld [tilespmem:s0+$0x0];
	s0 =	sor.u32 s15, s1;
	s15 =	sand.u32 $0x60, s19  }
0xd5: {  	s20 =	sor.u32 $0x8000, s16;
	v30 =	vmax.f32 v1, v38;
	v34 =	vmax.f32 v2, v42;
	v36 =	vmax.f32 v23, v44;
	v39 =	vld [tilespmem:s0+$0x0];
	s0 =	sor.u32 s14, s1;
	s14 =	sor.u32 $0x10, s15  }
0xd6: {  	s21 =	sor.u32 $0x8080, s16;
	v1 =	vmax.f32 v25, v48;
	v2 =	vmax.f32 v26, v50;
	v23 =	vmax.f32 v27, v52;
	s1 =	sor.u32 s14, s20;
	v42 =	vld [tilespmem:s0+$0x0]  }
0xd7: {  	s22 =	sor.u32 $0x8100, s16;
	v25 =	vmax.f32 v1, v32;
	v26 =	vmax.f32 v2, v35;
	v27 =	vmax.f32 v23, v41;
	s0 =	sor.u32 s14, s21;
	v56 =	vld [tilespmem:s1+$0x0]  }
0xd8: {  	s23 =	sor.u32 $0x8180, s16;
	v1 =	vmax.f32 v13, v47;
	v2 =	vmax.f32 v15, v49;
	v18 =	vmax.f32 v18, v54;
	v33 =	vld [tilespmem:s0+$0x0];
	s0 =	sor.u32 s14, s22  }
0xd9: {  	s24 =	sor.u32 $0x8200, s16;
	v13 =	vmax.f32 v1, v28;
	v15 =	vmax.f32 v2, v31;
	v18 =	vmax.f32 v18, v20;
	v40 =	vld [tilespmem:s0+$0x0];
	s0 =	sor.u32 s14, s23  }
0xda: {  	s25 =	sor.u32 $0x8280, s16;
	v0 =	vmax.f32 v11, v0;
	v1 =	vmax.f32 v7, v24;
	v43 =	vld [tilespmem:s0+$0x0];
	s0 =	sor.u32 s14, s24;
	v2 =	vmax.f32 v5, v39  }
0xdb: {  	s1 =	sor.u32 $0x8300, s16;
	v11 =	vmax.f32 v0, v10;
	v7 =	vmax.f32 v1, v8;
	v38 =	vld [tilespmem:s0+$0x0];
	s0 =	sor.u32 s14, s25;
	v5 =	vmax.f32 v2, v42  }
0xdc: {  	s26 =	sor.u32 $0x8380, s16;
	v42 =	vld [tilespmem:s0+$0x0];
	s0 =	sor.u32 s14, s1  }
0xdd: {  	s28 =	sor.u32 $0xC000, s16;
	v44 =	vld [tilespmem:s0+$0x0];
	s0 =	sor.u32 s14, s26  }
0xde: {  	s29 =	sor.u32 $0xC080, s16;
	v32 =	vld [tilespmem:s0+$0x0];
	s0 =	sor.u32 s14, s28  }
0xdf: {  	s30 =	sor.u32 $0xC100, s16;
	v35 =	vld [tilespmem:s0+$0x0];
	s0 =	sor.u32 s14, s29  }
0xe0: {  	s31 =	sor.u32 $0xC180, s16;
	v41 =	vld [tilespmem:s0+$0x0];
	s0 =	sor.u32 s14, s30  }
0xe1: {  	s8 =	sor.u32 $0xC200, s16;
	v28 =	vld [tilespmem:s0+$0x0];
	s0 =	sor.u32 s14, s31  }
0xe2: {  	s10 =	sor.u32 $0xC280, s16;
	v31 =	vld [tilespmem:s0+$0x0];
	s0 =	sor.u32 s14, s8  }
0xe3: {  	s17 =	sor.u32 $0xC300, s16;
	v20 =	vld [tilespmem:s0+$0x0];
	s0 =	sor.u32 s14, s10  }
0xe4: {  	v10 =	vld [tilespmem:s0+$0x0];
	s0 =	sor.u32 s14, s17  }
0xe5: {  	s20 =	sor.u32 s15, s20;
	v8 =	vld [tilespmem:s0+$0x0]  }
0xe6: {  	s0 =	sor.u32 s15, s21;
	v0 =	vld [tilespmem:s20+$0x0]  }
0xe7: {  	v1 =	vld [tilespmem:s0+$0x0];
	s0 =	sor.u32 s15, s22  }
0xe8: {  	v2 =	vld [tilespmem:s0+$0x0];
	s0 =	sor.u32 s15, s23  }
0xe9: {  	v23 =	vld [tilespmem:s0+$0x0];
	s0 =	sor.u32 s15, s24  }
0xea: {  	v51 =	vld [tilespmem:s0+$0x0];
	s0 =	sor.u32 s15, s25  }
0xeb: {  	v53 =	vld [tilespmem:s0+$0x0];
	s0 =	sor.u32 s15, s1  }
0xec: {  	v55 =	vld [tilespmem:s0+$0x0];
	s0 =	sor.u32 s15, s26  }
0xed: {  	v48 =	vld [tilespmem:s0+$0x0];
	s0 =	sor.u32 s15, s28  }
.Ltmp1:
0xee: {  	v50 =	vld [tilespmem:s0+$0x0];
	s0 =	sor.u32 s15, s29;
	(pc) =	sbr.rel @p0 .LBB2_4-.Ltmp1, $4  }
0xef: {  	v52 =	vld [tilespmem:s0+$0x0];
	s0 =	sor.u32 s15, s30  }
0xf0: {  	v0 =	vmax.f32 v19, v0;
	v47 =	vld [tilespmem:s0+$0x0];
	s0 =	sor.u32 s15, s31  }
0xf1: {  	v19 =	vmax.f32 v0, v56;
	v49 =	vld [tilespmem:s0+$0x0];
	s0 =	sor.u32 s15, s8  }
0xf2: {  	s18 =	sadd.s32 $0x100, s18;
	s19 =	sadd.s32 $0x20, s19;
	s20 =	sor.u32 s15, s10;
	v37 =	vmax.f32 v37, v1;
	v45 =	vmax.f32 v45, v2;
	v46 =	vmax.f32 v46, v23;
	v54 =	vld [tilespmem:s0+$0x0]  }
0xf3: {  	v0 =	vld [tilespmem:$0x1FE10]  }
0xf4: {  	v57 =	vld [tilespmem:$0x1FE20]  }
0xf5: {  	v58 =	vld [tilespmem:$0x1FE30];
	_ =	sdelay $0x2  }
0xf6: {  	(xrf0) =	vmax.scan.msk.f32 $0xffff, v0  }
0xf7: {  	(xrf0) =	vmax.scan.msk.f32 $0xffff, v57  }
0xf8: {  	(xrf0) =	vmax.scan.msk.f32 $0xffff, v58  }
0xf9: {  	(xrf0) =	vmax.scan.msk.f32 $0xffff, v29  }
0xfa: {  	(xrf0) =	vmax.scan.msk.f32 $0xffff, v21  }
0xfb: {  	(xrf0) =	vmax.scan.msk.f32 $0xffff, v22  }
0xfc: {  	v59, _, _ =	vpop (xrf0);
	(xrf0) =	vmax.scan.msk.f32 $0xffff, v16  }
0xfd: {  	v1, _, _ =	vpop (xrf0);
	(xrf0) =	vmax.scan.msk.f32 $0xffff, v17  }
0xfe: {  	v2, _, _ =	vpop (xrf0);
	(xrf0) =	vmax.scan.msk.f32 $0xffff, v14  }
0xff: {  	v62 =	vmax.f32 v45, v40;
	v45 =	vld [tilespmem:$0x1FE70];
	v60, _, _ =	vpop (xrf0);
	(xrf0) =	vmax.scan.msk.f32 $0xffff, v9  }
0x100: {  	v61 =	vmax.f32 v37, v33;
	v15 =	vmax.f32 v15, v49;
	v49 =	vld [tilespmem:$0x1FE90];
	v21, _, _ =	vpop (xrf0);
	(xrf0) =	vmax.scan.msk.f32 $0xffff, v12  }
0x101: {  	v63 =	vmax.f32 v46, v43;
	v33 =	vmax.f32 v30, v51;
	v34 =	vmax.f32 v34, v53;
	s1 =	sor.u32 $0xC380, s16;
	v24, _, _ =	vpop (xrf0);
	(xrf0) =	vmax.scan.msk.f32 $0xffff, v6  }
0x102: {  	v23 =	vmax.f32 v36, v55;
	v25 =	vmax.f32 v25, v48;
	v26 =	vmax.f32 v26, v50;
	v53 =	vld [tilespmem:$0x1FFF0];
	s29 =	sor.u32 s15, s1;
	v39, _, _ =	vpop (xrf0);
	(xrf0) =	vmax.scan.msk.f32 $0xffff, v3  }
0x103: {  	v36 =	vmax.f32 v33, v38;
	v37 =	vmax.f32 v34, v42;
	v38 =	vmax.f32 v23, v44;
	s30 =	sor.u32 s14, s1;
	v46 =	vld [tilespmem:s29+$0x0];
	v42, _, _ =	vpop (xrf0);
	(xrf0) =	vmax.scan.msk.f32 $0xffff, v4  }
0x104: {  	v27 =	vmax.f32 v27, v52;
	v25 =	vmax.f32 v25, v32;
	v13 =	vmax.f32 v13, v47;
	v52 =	vld [tilespmem:s30+$0x0];
	v44, _, _ =	vpop (xrf0);
	(xrf0) =	vmax.scan.msk.f32 $0xffff, v45  }
0x105: {  	v40 =	vld [tilespmem:s20+$0x0];
	s0 =	sor.u32 s15, s17;
	v26 =	vmax.f32 v26, v35;
	v27 =	vmax.f32 v27, v41;
	v13 =	vmax.f32 v13, v28;
	v48, _, _ =	vpop (xrf0);
	(xrf0) =	vmax.scan.msk.f32 $0xffff, v49  }
0x106: {  	v43 =	vld [tilespmem:s0+$0x0];
	v18 =	vmax.f32 v18, v54;
	v0 =	vbroadcast v59, $0xF;
	v1 =	vbroadcast v1, $0xF;
	v50, _, _ =	vpop (xrf0);
	(xrf0) =	vmax.scan.msk.f32 $0xffff, v19  }
0x107: {  	v15 =	vmax.f32 v15, v31;
	vm0 =	vnez.u8 v53;
	v2 =	vbroadcast v2, $0xF;
	v51, _, _ =	vpop (xrf0);
	(xrf0) =	vmax.scan.msk.f32 $0xffff, v61  }
0x108: {  	v5 =	vmax.f32 v5, v46;
	v0 =	vsel vm0, v0, v1;
	v54 =	vbroadcast v60, $0xF;
	v55, _, _ =	vpop (xrf0);
	(xrf0) =	vmax.scan.msk.f32 $0xffff, v62  }
0x109: {  	v18 =	vmax.f32 v18, v20;
	v5 =	vmax.f32 v5, v52;
	v0 =	vsel vm1, v0, v2;
	v57, _, _ =	vpop (xrf0);
	(xrf0) =	vmax.scan.msk.f32 $0xffff, v63  }
0x10a: {  	v56 =	vbroadcast v21, $0xF;
	v3 =	vmax.f32 v11, v40;
	v0 =	vsel vm2, v0, v54;
	v59, _, _ =	vpop (xrf0);
	(xrf0) =	vmax.scan.msk.f32 $0xffff, v36  }
0x10b: {  	v58 =	vbroadcast v24, $0xF;
	v4 =	vmax.f32 v7, v43;
	v3 =	vmax.f32 v3, v10;
	v61, _, _ =	vpop (xrf0);
	(xrf0) =	vmax.scan.msk.f32 $0xffff, v37  }
0x10c: {  	v0 =	vsel vm3, v0, v56;
	v60 =	vbroadcast v39, $0xF;
	v12 =	vbroadcast v44, $0xF;
	v63, _, _ =	vpop (xrf0);
	(xrf0) =	vmax.scan.msk.f32 $0xffff, v38  }
0x10d: {  	v4 =	vmax.f32 v4, v8;
	v22 =	vbroadcast v48, $0xF;
	v24 =	vbroadcast v50, $0xF;
	v16, _, _ =	vpop (xrf0);
	(xrf0) =	vmax.scan.msk.f32 $0xffff, v25  }
0x10e: {  	v0 =	vsel vm4, v0, v58;
	v17 =	vbroadcast v63, $0xF;
	v20 =	vbroadcast v16, $0xF;
	v21, _, _ =	vpop (xrf0);
	(xrf0) =	vmax.scan.msk.f32 $0xffff, v26  }
0x10f: {  	v0 =	vsel vm5, v0, v60;
	v62 =	vbroadcast v42, $0xF;
	v9 =	vbroadcast v21, $0xF;
	v23, _, _ =	vpop (xrf0);
	(xrf0) =	vmax.scan.msk.f32 $0xffff, v27  }
0x110: {  	v31 =	vbroadcast v51, $0xF;
	v1 =	vsel vm0, v17, v20;
	v25 =	vbroadcast v23, $0xF;
	v26, _, _ =	vpop (xrf0);
	(xrf0) =	vmax.scan.msk.f32 $0xffff, v13  }
0x111: {  	v34 =	vbroadcast v55, $0xF;
	v1 =	vsel vm1, v1, v9;
	v27 =	vbroadcast v26, $0xF;
	v28, _, _ =	vpop (xrf0);
	(xrf0) =	vmax.scan.msk.f32 $0xffff, v15  }
0x112: {  	v0 =	vsel vm6, v0, v62;
	v1 =	vsel vm2, v1, v25;
	v29 =	vbroadcast v28, $0xF;
	v30, _, _ =	vpop (xrf0);
	(xrf0) =	vmax.scan.msk.f32 $0xffff, v18  }
0x113: {  	v41 =	vbroadcast v57, $0xF;
	v1 =	vsel vm3, v1, v27;
	v32 =	vbroadcast v30, $0xF;
	v33, _, _ =	vpop (xrf0);
	(xrf0) =	vmax.scan.msk.f32 $0xffff, v3  }
0x114: {  	v0 =	vsel vm7, v0, v12;
	v1 =	vsel vm4, v1, v29;
	v35 =	vbroadcast v33, $0xF;
	v36, _, _ =	vpop (xrf0);
	(xrf0) =	vmax.scan.msk.f32 $0xffff, v4  }
0x115: {  	v45 =	vbroadcast v59, $0xF;
	v37, _, _ =	vpop (xrf0);
	v1 =	vsel vm5, v1, v32;
	v38 =	vbroadcast v36, $0xF  }
0x116: {  	v0 =	vsel vm8, v0, v22;
	v39, _, _ =	vpop (xrf0);
	v1 =	vsel vm6, v1, v35;
	v40 =	vbroadcast v37, $0xF  }
0x117: {  	v0 =	vsel vm9, v0, v24;
	v1 =	vsel vm7, v1, v38;
	v42 =	vbroadcast v39, $0xF;
	v43, _, _ =	vpop (xrf0);
	(xrf0) =	vmax.scan.msk.f32 $0xffff, v5  }
0x118: {  	v0 =	vsel vm10, v0, v31;
	v44, _, _ =	vpop (xrf0);
	v1 =	vsel vm8, v1, v40;
	v46 =	vbroadcast v43, $0xF  }
0x119: {  	v0 =	vsel vm11, v0, v34;
	v47, _, _ =	vpop (xrf0);
	v1 =	vsel vm9, v1, v42;
	v48 =	vbroadcast v44, $0xF  }
0x11a: {  	v0 =	vsel vm12, v0, v41;
	v49, _, _ =	vpop (xrf0);
	v1 =	vsel vm10, v1, v46;
	v50 =	vbroadcast v47, $0xF  }
0x11b: {  	v0 =	vsel vm13, v0, v45;
	v1 =	vsel vm11, v1, v48;
	v51 =	vbroadcast v49, $0xF  }
0x11c: {  	v0 =	vsel vm14, v0, v61;
	v1 =	vsel vm12, v1, v50  }
0x11d: {  	v52 =	vsub.f32 $1.000000000e+00, v0;
	v53 =	vsel vm13, v1, v51;
	v54, _, _ =	vpop (xrf0)  }
0x11e: {  	vm15 =	vgt.f32 v0, $8.000000110e-01;
	v0 =	vsel vm14, v53, v54  }
0x11f: {  	v55 =	vnsel vm15, $0x0, v52;
	v57 =	vsub.f32 $1.000000000e+00, v0  }
0x120: {  	v56 =	vmul.f32 $8.333333580e-02, v55;
	vm0 =	vgt.f32 v0, $8.000000110e-01  }
0x121: {  	v59 =	vnsel vm0, $0x0, v57  }
0x122: {  	v58 =	vadd.f32 $9.090909360e-02, v56;
	v3 =	vmul.f32 $8.333333580e-02, v59;
	_ =	sdelay $0x1  }
0x123: {  	v0 =	vmul.f32 v58, v55;
	v3 =	vadd.f32 $9.090909360e-02, v3;
	_ =	sdelay $0x1  }
0x124: {  	v0 =	vadd.f32 $1.000000010e-01, v0;
	v3 =	vmul.f32 v3, v59;
	_ =	sdelay $0x1  }
0x125: {  	v0 =	vmul.f32 v0, v55;
	v3 =	vadd.f32 $1.000000010e-01, v3;
	_ =	sdelay $0x1  }
0x126: {  	v0 =	vadd.f32 $1.111111120e-01, v0;
	v3 =	vmul.f32 v3, v59;
	_ =	sdelay $0x1  }
0x127: {  	v0 =	vmul.f32 v0, v55;
	v3 =	vadd.f32 $1.111111120e-01, v3;
	_ =	sdelay $0x1  }
0x128: {  	v0 =	vadd.f32 $1.250000000e-01, v0;
	v3 =	vmul.f32 v3, v59;
	_ =	sdelay $0x1  }
0x129: {  	v0 =	vmul.f32 v0, v55;
	v3 =	vadd.f32 $1.250000000e-01, v3;
	_ =	sdelay $0x1  }
0x12a: {  	v0 =	vadd.f32 $1.428571490e-01, v0;
	v3 =	vmul.f32 v3, v59;
	_ =	sdelay $0x1  }
0x12b: {  	v0 =	vmul.f32 v0, v55;
	v3 =	vadd.f32 $1.428571490e-01, v3;
	_ =	sdelay $0x1  }
0x12c: {  	v0 =	vadd.f32 $1.666666720e-01, v0;
	v3 =	vmul.f32 v3, v59;
	_ =	sdelay $0x1  }
0x12d: {  	v0 =	vmul.f32 v0, v55;
	v3 =	vadd.f32 $1.666666720e-01, v3;
	_ =	sdelay $0x1  }
0x12e: {  	v0 =	vadd.f32 $2.000000030e-01, v0;
	v3 =	vmul.f32 v3, v59;
	_ =	sdelay $0x1  }
0x12f: {  	v0 =	vmul.f32 v0, v55;
	v3 =	vadd.f32 $2.000000030e-01, v3;
	_ =	sdelay $0x1  }
0x130: {  	v0 =	vadd.f32 $2.500000000e-01, v0;
	v3 =	vmul.f32 v3, v59;
	_ =	sdelay $0x1  }
0x131: {  	v0 =	vmul.f32 v0, v55;
	v3 =	vadd.f32 $2.500000000e-01, v3;
	_ =	sdelay $0x1  }
0x132: {  	v0 =	vadd.f32 $3.333333430e-01, v0;
	v3 =	vmul.f32 v3, v59;
	_ =	sdelay $0x1  }
0x133: {  	v0 =	vmul.f32 v0, v55;
	v3 =	vadd.f32 $3.333333430e-01, v3;
	_ =	sdelay $0x1  }
0x134: {  	v0 =	vadd.f32 $5.000000000e-01, v0;
	v3 =	vmul.f32 v3, v59;
	_ =	sdelay $0x1  }
0x135: {  	v0 =	vmul.f32 v0, v55;
	v3 =	vadd.f32 $5.000000000e-01, v3;
	_ =	sdelay $0x1  }
0x136: {  	v0 =	vadd.f32 $1.000000000e+00, v0;
	v3 =	vmul.f32 v3, v59;
	_ =	sdelay $0x1  }
0x137: {  	v2 =	vmul.f32 v55, v55;
	v0 =	vmul.f32 v0, v55;
	v3 =	vadd.f32 $1.000000000e+00, v3  }
0x138: {  	v1 =	vmul.f32 v59, v59  }
0x139: {  	v0 =	vmul.f32 v0, v2;
	v60 =	vmul.f32 v3, v59;
	_ =	sdelay $0x1  }
0x13a: {  	v0 =	vadd.f32 $0.0e+00, v0;
	v1 =	vmul.f32 v60, v1  }
0x13b: {  	v61 =	vimm.f32 $0.0e+00  }
0x13c: {  	v62 =	vsel vm15, $0x3F800000, v61;
	v63 =	vsel vm0, $0x3F800000, v61;
	v0 =	vadd.f32 v1, v0  }
0x13d: {  	v1 =	vadd.f32 v63, v62  }
0x13e: {  	[tilespmem:$0x10000] =	vst v0  }
0x13f: {  	s31 =	simm.s32 $0x10000;
	[tilespmem:$0x10080] =	vst v1  }
0x140: {  	[hbm4b:s4+s2] =	stream.linear.scatter [tilespmem:s31], [sflag:$0x3], $0x10, $0x38;
	[tilespmem:$0x10100] =	vst v63  }
0x141: {  	s13 =	sadd.s32 $0x1, s13;
	_ =	swait.ge [sflag:s11], $0x10  }
0x142: {  	p0 =	sne.s32 s13, s6;
	[sflag:s11] =	ssyncset.done $0x0  }
.Ltmp2:
0x143: {  	[sflag:s11] =	ssyncadd.s32 $0xFFFFFFF0;
	(pc) =	sbr.rel @p0 .LBB2_1-.Ltmp2, $4  }
0x144: {  	[hbm4b:s7+s2] =	stream.linear.scatter [tilespmem:s12], [sflag:$0x3], $0x10, $0x38;
	[tilespmem:$0x10100] =	vst v63  }
0x145: {  	_ =	swait.ge [sflag:s11], $0x10  }
0x146: {  	[sflag:s11] =	ssyncset.done $0x0  }
0x147: {  	[sflag:s11] =	ssyncadd.s32 $0xFFFFFFF0  }
0x148: {  	_ =	sfence.sel $0x180000  }
0x149: {  	[bflag:$0x0] =	sbarrier.arrive $0xFFFF  }
0x14a: {  	_ =	strace $0x90000047  }
0x14b: {  	s0 =	stileid.u32;
	[bflag:$0x2] =	sbarrier.arrive $0xFFFF  }
0x14c: {  	p0 =	sne.s32 s0, $0x0;
	s0 =	rddreg [dreg:$0x2]  }
0x14d: {  	s0 =	sadd.s32 @!p0 $0x100000, s0  }
0x14e: {  	[sflag:s0] =	ssyncadd.tile.s32 @!p0 $0x1;
	_ =	shalt  }
.Lfunc_end2:
_tile_overlayer_lowered:
.L_overlay_start_2:
0x14f: {  	(tag) =	ssettag $0x2  }
0x150: {  	s0 =	rddreg [dreg:$0x0];
	s2 =	stileid.u32  }
0x151: {  	s1 =	rddreg [dreg:$0x1];
	p0 =	sne.s32 s2, $0x0  }
0x152: {  	s3 =	rddreg [dreg:$0x2];
	[bflag:$0x3] =	sbarrier.arrive $0xFFFF;
	s2 =	simm.s32 @!p0 $0x1C03  }
0x153: {  	[timem:s3], [sflag:s2] =	dma.local @!p0 [hbm:s0], s1  }
0x154: {  	s0 =	simm.s32 @!p0 $0x3  }
0x155: {  	_ =	swait.ge @!p0 [sflag:s0], s1  }
0x156: {  	s1 =	ssub.s32 @!p0 $0x0, s1;
	[sflag:s0] =	ssyncset.done @!p0 $0x0  }
0x157: {  	[sflag:s0] =	ssyncadd.s32 @!p0 s1  }
0x158: {  	[bflag:$0x3] =	sbarrier.arrive $0xFFFF  }
0x159: {  	_ =	shalt  }

</sc_bundles>
